<compile_context>
chip_gen: v7x
topology: tpu7x:2x2x1
jax: 0.10.2.dev20260603
libtpu: 0.0.44.dev20260713+nightly
codegen_flags: <defaults>
</compile_context>

<pallas_src>
import functools
from math import sqrt

import jax
import jax.numpy as jnp
from jax import lax
from jax.experimental import pallas as pl
from jax.experimental.pallas import tpu as pltpu
from jax.experimental.pallas import tpu_sc as plsc

VOCAB_SIZE = 1000000
EMBEDDING_DIM = 64
SCALE = sqrt(EMBEDDING_DIM)

_INFO = plsc.get_sparse_core_info()
_NC = _INFO.num_cores
_NS = _INFO.num_subcores
_NW = _NC * _NS
_L = _INFO.num_lanes

_B = 4096 * 200
_PER_W = _B // _NW
_C = 400
_NCHUNK = _PER_W // _C
_NBUF = 4
_LOOKAHEAD = 2


def _emb_body(table_hbm, idx_hbm, out_hbm, idx_all, rows,
              g0, g1, g2, g3, o0, o1, o2, o3):
    gsems = (g0, g1, g2, g3)
    osems = (o0, o1, o2, o3)
    wid = lax.axis_index("s") * _NC + lax.axis_index("c")
    base = wid * _PER_W

    pltpu.sync_copy(idx_hbm.at[pl.ds(base, _PER_W)], idx_all)

    def start_gather(g, b):
        pltpu.async_copy(
            table_hbm.at[idx_all.at[pl.ds(g * _C, _C)]], rows.at[b],
            gsems[b])

    def wait_gather(b):
        pltpu.make_async_copy(
            table_hbm.at[idx_all.at[pl.ds(0, _C)]], rows.at[b],
            gsems[b]).wait()

    def start_out(g, b):
        pltpu.async_copy(
            rows.at[b], out_hbm.at[pl.ds(base + g * _C, _C)], osems[b])

    def wait_out(b):
        pltpu.make_async_copy(
            rows.at[b], out_hbm.at[pl.ds(base, _C)], osems[b]).wait()

    for g in range(_LOOKAHEAD):
        start_gather(g, g % _NBUF)

    def step(i0, carry):
        for b in range(_NBUF):
            g = i0 * _NBUF + b
            bp = (b + _LOOKAHEAD) % _NBUF

            @pl.when(g + _LOOKAHEAD < _NCHUNK)
            def _():
                @pl.when(g >= _LOOKAHEAD)
                def _():
                    wait_out(bp)
                start_gather(g + _LOOKAHEAD, bp)

            wait_gather(b)

            @plsc.parallel_loop(0, _C, unroll=8)
            def _(j):
                for k in range(EMBEDDING_DIM // _L):
                    sl = pl.ds(k * _L, _L)
                    rows[b, j, sl] = rows[b, j, sl] * SCALE

            start_out(g, b)
        return carry

    lax.fori_loop(0, _NCHUNK // _NBUF, step, 0)

    for b in range(_NBUF):
        wait_out(b)


@jax.jit
def _launch(idx, table):
    mesh = plsc.VectorSubcoreMesh(core_axis_name="c", subcore_axis_name="s")
    f = pl.kernel(
        _emb_body,
        mesh=mesh,
        out_type=jax.ShapeDtypeStruct((_B, EMBEDDING_DIM), jnp.float32),
        scratch_types=[
            pltpu.VMEM((_PER_W,), jnp.int32),
            pltpu.VMEM((_NBUF, _C, EMBEDDING_DIM), jnp.float32),
        ] + [pltpu.SemaphoreType.DMA] * (2 * _NBUF),
        compiler_params=pltpu.CompilerParams(
            use_tc_tiling_on_sc=False,
            skip_device_barrier=True,
        ),
    )
    return f(table, idx)


def kernel(x, table):
    idx = x.reshape(-1).astype(jnp.int32)
    out = _launch(idx, table)
    return out.reshape(x.shape + (EMBEDDING_DIM,))

# --- scband reference (transcript-rebuilt; emitter-appended) ---
"""Pipeline reference for scband-input-embedding-45715631898646 (READ-ONLY COPY).

The authoritative reference and input builder live on the scoring server;
editing this copy changes nothing except your own understanding.
"""

import jax, jax.numpy as jnp
import numpy as np
from math import sqrt

VOCAB_SIZE = 1000000
EMBEDDING_DIM = 64

def setup_inputs(seed: int = 0) -> dict:
    key = jax.random.key(seed)
    k_idx, k_tab = jax.random.split(key)
    x = jax.random.randint(k_idx, (4096, 200), 0, VOCAB_SIZE, dtype=jnp.int64 if jax.config.jax_enable_x64 else jnp.int32)
    table = jax.random.normal(k_tab, (VOCAB_SIZE, EMBEDDING_DIM), dtype=jnp.float32)
    return {"x": x, "table": table}

def reference(x, table):
    # nn.Embedding lookup followed by sqrt(embedding_dim) scaling
    emb = jnp.take(table, x, axis=0)
    return emb * sqrt(EMBEDDING_DIM)

if __name__ == "__main__":
    import jax
    _d = setup_inputs()
    print(jax.jit(kernel)(*tuple(_d.values())))

</pallas_src>

<mosaic_0001>
#map = affine_map<(d0, d1) -> (0, 0)>
#map1 = affine_map<(d0, d1) -> (0)>
module attributes {stable_mosaic.version = 14 : i64} {
  func.func @_emb_body(%arg0: i32, %arg1: i32, %arg2: memref<1000000x64xf32, #tpu.memory_space<hbm>>, %arg3: memref<819200xi32, #tpu.memory_space<hbm>>, %arg4: memref<819200x64xf32, #tpu.memory_space<hbm>>, %arg5: memref<25600xi32, #tpu.memory_space<vmem>>, %arg6: memref<4x400x64xf32, #tpu.memory_space<vmem>>, %arg7: memref<!tpu.dma_semaphore, #tpu.memory_space<semaphore_mem>>, %arg8: memref<!tpu.dma_semaphore, #tpu.memory_space<semaphore_mem>>, %arg9: memref<!tpu.dma_semaphore, #tpu.memory_space<semaphore_mem>>, %arg10: memref<!tpu.dma_semaphore, #tpu.memory_space<semaphore_mem>>, %arg11: memref<!tpu.dma_semaphore, #tpu.memory_space<semaphore_mem>>, %arg12: memref<!tpu.dma_semaphore, #tpu.memory_space<semaphore_mem>>, %arg13: memref<!tpu.dma_semaphore, #tpu.memory_space<semaphore_mem>>, %arg14: memref<!tpu.dma_semaphore, #tpu.memory_space<semaphore_mem>>) attributes {dimension_semantics = [#tpu.dimension_semantics<core_parallel>, #tpu.dimension_semantics<subcore_parallel>], iteration_bounds = array<i64: 2, 16>, scalar_prefetch = 0 : i64, scratch_operands = 10 : i64, tpu.core_type = #tpu.core_type<sc_vector_subcore>, window_params = [{transform_indices = #map}, {transform_indices = #map1}, {transform_indices = #map}]} {
    %mul3A = arith.constant 2 : i32
    %mul3A_0 = arith.muli %arg1, %mul3A : i32
    %add3A = arith.addi %mul3A_0, %arg0 : i32
    %mul3A_1 = arith.constant 25600 : i32
    %mul3A_2 = arith.muli %add3A, %mul3A_1 : i32
    "tpu.region"() ({
      %run_scoped3A = tpu.sem_alloc : memref<!tpu.dma_semaphore, #tpu.memory_space<semaphore_mem>>
      %dma_start3A_78 = tpu.memref_slice %arg3[%mul3A_2] : memref<819200xi32, #tpu.memory_space<hbm>> -> memref<25600xi32, #tpu.memory_space<hbm>>
      %dma_start3A_79 = tpu.memref_slice %arg3[%mul3A_2] : memref<819200xi32, #tpu.memory_space<hbm>> -> memref<25600xi32, #tpu.memory_space<hbm>>
      tpu.enqueue_dma source(%dma_start3A_79 : memref<25600xi32, #tpu.memory_space<hbm>>) target(%arg5 : memref<25600xi32, #tpu.memory_space<vmem>>) target_semaphore(%run_scoped3A : memref<!tpu.dma_semaphore, #tpu.memory_space<semaphore_mem>>)
      %dma_wait3A_80 = tpu.memref_slice %arg3[%mul3A_2] : memref<819200xi32, #tpu.memory_space<hbm>> -> memref<25600xi32, #tpu.memory_space<hbm>>
      %dma_wait3A_81 = tpu.memref_slice %arg3[%mul3A_2] : memref<819200xi32, #tpu.memory_space<hbm>> -> memref<25600xi32, #tpu.memory_space<hbm>>
      tpu.wait_dma2 semaphore(%run_scoped3A : memref<!tpu.dma_semaphore, #tpu.memory_space<semaphore_mem>>) src(%dma_wait3A_81 : memref<25600xi32, #tpu.memory_space<hbm>>) dst(%arg5 : memref<25600xi32, #tpu.memory_space<vmem>>)
      tpu.yield
    }) : () -> ()
    %dma_start3A = arith.constant 0 : i32
    %dma_start3A_3 = arith.constant 0 : i32
    %dma_start3A_4 = arith.constant 0 : i32
    %dma_start3A_5 = tpu.memref_slice %arg6[%dma_start3A, %dma_start3A_3, %dma_start3A_4] : memref<4x400x64xf32, #tpu.memory_space<vmem>> -> memref<1x400x64xf32, #tpu.memory_space<vmem>>
    %dma_start3A_6 = tpu.memref_squeeze %dma_start3A_5 : memref<1x400x64xf32, #tpu.memory_space<vmem>> -> memref<400x64xf32, #tpu.memory_space<vmem>>
    %dma_start3A_7 = arith.constant 0 : i32
    %dma_start3A_8 = tpu.memref_slice %arg5[%dma_start3A_7] : memref<25600xi32, #tpu.memory_space<vmem>> -> memref<400xi32, #tpu.memory_space<vmem>>
    %dma_start3A_9 = arith.constant 0 : i32
    %dma_start3A_10 = arith.constant 0 : i32
    %dma_start3A_11 = tpu.memref_slice %arg2[%dma_start3A_9, %dma_start3A_10] : memref<1000000x64xf32, #tpu.memory_space<hbm>> -> memref<1000000x64xf32, #tpu.memory_space<hbm>>
    tpu.enqueue_indirect_dma source(%dma_start3A_11 : memref<1000000x64xf32, #tpu.memory_space<hbm>>) target(%dma_start3A_6 : memref<400x64xf32, #tpu.memory_space<vmem>>) offsets(%dma_start3A_8 : memref<400xi32, #tpu.memory_space<vmem>>) semaphore(%arg7 : memref<!tpu.dma_semaphore, #tpu.memory_space<semaphore_mem>>)
    %dma_start3A_12 = arith.constant 1 : i32
    %dma_start3A_13 = arith.constant 0 : i32
    %dma_start3A_14 = arith.constant 0 : i32
    %dma_start3A_15 = tpu.memref_slice %arg6[%dma_start3A_12, %dma_start3A_13, %dma_start3A_14] : memref<4x400x64xf32, #tpu.memory_space<vmem>> -> memref<1x400x64xf32, #tpu.memory_space<vmem>>
    %dma_start3A_16 = tpu.memref_squeeze %dma_start3A_15 : memref<1x400x64xf32, #tpu.memory_space<vmem>> -> memref<400x64xf32, #tpu.memory_space<vmem>>
    %dma_start3A_17 = arith.constant 400 : i32
    %dma_start3A_18 = tpu.memref_slice %arg5[%dma_start3A_17] : memref<25600xi32, #tpu.memory_space<vmem>> -> memref<400xi32, #tpu.memory_space<vmem>>
    %dma_start3A_19 = arith.constant 0 : i32
    %dma_start3A_20 = arith.constant 0 : i32
    %dma_start3A_21 = tpu.memref_slice %arg2[%dma_start3A_19, %dma_start3A_20] : memref<1000000x64xf32, #tpu.memory_space<hbm>> -> memref<1000000x64xf32, #tpu.memory_space<hbm>>
    tpu.enqueue_indirect_dma source(%dma_start3A_21 : memref<1000000x64xf32, #tpu.memory_space<hbm>>) target(%dma_start3A_16 : memref<400x64xf32, #tpu.memory_space<vmem>>) offsets(%dma_start3A_18 : memref<400xi32, #tpu.memory_space<vmem>>) semaphore(%arg8 : memref<!tpu.dma_semaphore, #tpu.memory_space<semaphore_mem>>)
    %scan3A = arith.constant 0 : i32
    %scan3A_22 = arith.constant 0 : i32
    %scan3A_23 = arith.constant 16 : i32
    %scan3A_24 = arith.addi %scan3A_22, %scan3A_23 : i32
    %scan3A_25 = arith.constant 1 : i32
    scf.for %scan3A_78 = %scan3A_22 to %scan3A_24 step %scan3A_25  : i32 {
      %mul3A_79 = arith.constant 4 : i32
      %mul3A_80 = arith.muli %scan3A_78, %mul3A_79 : i32
      %add3A_81 = arith.constant 0 : i32
      %add3A_82 = arith.addi %mul3A_80, %add3A_81 : i32
      %add3A_83 = arith.constant 2 : i32
      %add3A_84 = arith.addi %add3A_82, %add3A_83 : i32
      %lt3A = arith.constant 64 : i32
      %lt3A_85 = arith.cmpi slt, %add3A_84, %lt3A : i32
      %convert_element_type3A = arith.extui %lt3A_85 : i1 to i32
      %cond3A = arith.constant 0 : i32
      %cond3A_86 = arith.cmpi ne, %convert_element_type3A, %cond3A : i32
      scf.if %cond3A_86 {
        %ge3A = arith.constant 2 : i32
        %ge3A_235 = arith.cmpi sge, %add3A_82, %ge3A : i32
        %convert_element_type3A_236 = arith.extui %ge3A_235 : i1 to i32
        %cond3A_237 = arith.constant 0 : i32
        %cond3A_238 = arith.cmpi ne, %convert_element_type3A_236, %cond3A_237 : i32
        scf.if %cond3A_238 {
          %dma_wait3A_252 = arith.constant 2 : i32
          %dma_wait3A_253 = arith.constant 0 : i32
          %dma_wait3A_254 = arith.constant 0 : i32
          %dma_wait3A_255 = tpu.memref_slice %arg6[%dma_wait3A_252, %dma_wait3A_253, %dma_wait3A_254] : memref<4x400x64xf32, #tpu.memory_space<vmem>> -> memref<1x400x64xf32, #tpu.memory_space<vmem>>
          %dma_wait3A_256 = tpu.memref_squeeze %dma_wait3A_255 : memref<1x400x64xf32, #tpu.memory_space<vmem>> -> memref<400x64xf32, #tpu.memory_space<vmem>>
          %dma_wait3A_257 = arith.constant 0 : i32
          %dma_wait3A_258 = tpu.memref_slice %arg4[%mul3A_2, %dma_wait3A_257] : memref<819200x64xf32, #tpu.memory_space<hbm>> -> memref<400x64xf32, #tpu.memory_space<hbm>>
          %dma_wait3A_259 = arith.constant 0 : i32
          %dma_wait3A_260 = tpu.memref_slice %arg4[%mul3A_2, %dma_wait3A_259] : memref<819200x64xf32, #tpu.memory_space<hbm>> -> memref<400x64xf32, #tpu.memory_space<hbm>>
          %dma_wait3A_261 = arith.constant 0 : i32
          %dma_wait3A_262 = arith.constant 0 : i32
          %dma_wait3A_263 = tpu.memref_slice %arg6[%dma_wait3A_252, %dma_wait3A_261, %dma_wait3A_262] : memref<4x400x64xf32, #tpu.memory_space<vmem>> -> memref<1x400x64xf32, #tpu.memory_space<vmem>>
          %dma_wait3A_264 = tpu.memref_squeeze %dma_wait3A_263 : memref<1x400x64xf32, #tpu.memory_space<vmem>> -> memref<400x64xf32, #tpu.memory_space<vmem>>
          tpu.wait_dma2 semaphore(%arg13 : memref<!tpu.dma_semaphore, #tpu.memory_space<semaphore_mem>>) src(%dma_wait3A_264 : memref<400x64xf32, #tpu.memory_space<vmem>>) dst(%dma_wait3A_260 : memref<400x64xf32, #tpu.memory_space<hbm>>)
        } else {
        }
        %add3A_239 = arith.constant 2 : i32
        %add3A_240 = arith.addi %add3A_82, %add3A_239 : i32
        %mul3A_241 = arith.constant 400 : i32
        %mul3A_242 = arith.muli %add3A_240, %mul3A_241 : i32
        %dma_start3A_243 = arith.constant 2 : i32
        %dma_start3A_244 = arith.constant 0 : i32
        %dma_start3A_245 = arith.constant 0 : i32
        %dma_start3A_246 = tpu.memref_slice %arg6[%dma_start3A_243, %dma_start3A_244, %dma_start3A_245] : memref<4x400x64xf32, #tpu.memory_space<vmem>> -> memref<1x400x64xf32, #tpu.memory_space<vmem>>
        %dma_start3A_247 = tpu.memref_squeeze %dma_start3A_246 : memref<1x400x64xf32, #tpu.memory_space<vmem>> -> memref<400x64xf32, #tpu.memory_space<vmem>>
        %dma_start3A_248 = tpu.memref_slice %arg5[%mul3A_242] : memref<25600xi32, #tpu.memory_space<vmem>> -> memref<400xi32, #tpu.memory_space<vmem>>
        %dma_start3A_249 = arith.constant 0 : i32
        %dma_start3A_250 = arith.constant 0 : i32
        %dma_start3A_251 = tpu.memref_slice %arg2[%dma_start3A_249, %dma_start3A_250] : memref<1000000x64xf32, #tpu.memory_space<hbm>> -> memref<1000000x64xf32, #tpu.memory_space<hbm>>
        tpu.enqueue_indirect_dma source(%dma_start3A_251 : memref<1000000x64xf32, #tpu.memory_space<hbm>>) target(%dma_start3A_247 : memref<400x64xf32, #tpu.memory_space<vmem>>) offsets(%dma_start3A_248 : memref<400xi32, #tpu.memory_space<vmem>>) semaphore(%arg9 : memref<!tpu.dma_semaphore, #tpu.memory_space<semaphore_mem>>)
      } else {
      }
      %dma_wait3A_87 = arith.constant 0 : i32
      %dma_wait3A_88 = arith.constant 0 : i32
      %dma_wait3A_89 = arith.constant 0 : i32
      %dma_wait3A_90 = tpu.memref_slice %arg6[%dma_wait3A_87, %dma_wait3A_88, %dma_wait3A_89] : memref<4x400x64xf32, #tpu.memory_space<vmem>> -> memref<1x400x64xf32, #tpu.memory_space<vmem>>
      %dma_wait3A_91 = tpu.memref_squeeze %dma_wait3A_90 : memref<1x400x64xf32, #tpu.memory_space<vmem>> -> memref<400x64xf32, #tpu.memory_space<vmem>>
      %dma_wait3A_92 = arith.constant 0 : i32
      %dma_wait3A_93 = tpu.memref_slice %arg5[%dma_wait3A_92] : memref<25600xi32, #tpu.memory_space<vmem>> -> memref<400xi32, #tpu.memory_space<vmem>>
      %dma_wait3A_94 = arith.constant 0 : i32
      %dma_wait3A_95 = arith.constant 0 : i32
      %dma_wait3A_96 = tpu.memref_slice %arg2[%dma_wait3A_94, %dma_wait3A_95] : memref<1000000x64xf32, #tpu.memory_space<hbm>> -> memref<1000000x64xf32, #tpu.memory_space<hbm>>
      tpu.wait_indirect_dma semaphore(%arg7 : memref<!tpu.dma_semaphore, #tpu.memory_space<semaphore_mem>>) src(%dma_wait3A_96 : memref<1000000x64xf32, #tpu.memory_space<hbm>>) dst(%dma_wait3A_91 : memref<400x64xf32, #tpu.memory_space<vmem>>)
      %parallel_loop3A = arith.constant 0 : i32
      %parallel_loop3A_97 = arith.constant 400 : i32
      %parallel_loop3A_98 = arith.constant 1 : i32
      scf.for %parallel_loop3A_235 = %parallel_loop3A to %parallel_loop3A_97 step %parallel_loop3A_98  : i32 {
        %parallel_loop3A_236 = arith.constant 0 : i32
        %parallel_loop3A_237 = arith.index_cast %parallel_loop3A_236 : i32 to index
        %parallel_loop3A_238 = arith.index_cast %parallel_loop3A_235 : i32 to index
        %parallel_loop3A_239 = arith.constant 0 : index
        %parallel_loop3A_240 = tpu.vector_load %arg6[%parallel_loop3A_237, %parallel_loop3A_238, %parallel_loop3A_239] {strides = array<i32>} : memref<4x400x64xf32, #tpu.memory_space<vmem>>, vector<1x1x16xf32>,
        %parallel_loop3A_241 = vector.shape_cast %parallel_loop3A_240 : vector<1x1x16xf32> to vector<16xf32>
        %parallel_loop3A_242 = arith.constant 8.000000e+00 : f32
        %parallel_loop3A_243 = vector.broadcast %parallel_loop3A_242 : f32 to vector<16xf32>
        %parallel_loop3A_244 = arith.mulf %parallel_loop3A_241, %parallel_loop3A_243 : vector<16xf32>
        %parallel_loop3A_245 = arith.constant 0 : i32
        %parallel_loop3A_246 = arith.index_cast %parallel_loop3A_245 : i32 to index
        %parallel_loop3A_247 = arith.index_cast %parallel_loop3A_235 : i32 to index
        %parallel_loop3A_248 = arith.constant 0 : index
        %parallel_loop3A_249 = tpu.vector_load %arg6[%parallel_loop3A_246, %parallel_loop3A_247, %parallel_loop3A_248] {strides = array<i32>} : memref<4x400x64xf32, #tpu.memory_space<vmem>>, vector<1x1x16xf32>,
        %parallel_loop3A_250 = vector.shape_cast %parallel_loop3A_249 : vector<1x1x16xf32> to vector<16xf32>
        %parallel_loop3A_251 = vector.shape_cast %parallel_loop3A_244 : vector<16xf32> to vector<1x1x16xf32>
        tpu.vector_store %arg6[%parallel_loop3A_246, %parallel_loop3A_247, %parallel_loop3A_248], %parallel_loop3A_251 {strides = array<i32>} : memref<4x400x64xf32, #tpu.memory_space<vmem>>, vector<1x1x16xf32>,
        %parallel_loop3A_252 = arith.constant 0 : i32
        %parallel_loop3A_253 = arith.index_cast %parallel_loop3A_252 : i32 to index
        %parallel_loop3A_254 = arith.index_cast %parallel_loop3A_235 : i32 to index
        %parallel_loop3A_255 = arith.constant 16 : index
        %parallel_loop3A_256 = tpu.vector_load %arg6[%parallel_loop3A_253, %parallel_loop3A_254, %parallel_loop3A_255] {strides = array<i32>} : memref<4x400x64xf32, #tpu.memory_space<vmem>>, vector<1x1x16xf32>,
        %parallel_loop3A_257 = vector.shape_cast %parallel_loop3A_256 : vector<1x1x16xf32> to vector<16xf32>
        %parallel_loop3A_258 = arith.constant 8.000000e+00 : f32
        %parallel_loop3A_259 = vector.broadcast %parallel_loop3A_258 : f32 to vector<16xf32>
        %parallel_loop3A_260 = arith.mulf %parallel_loop3A_257, %parallel_loop3A_259 : vector<16xf32>
        %parallel_loop3A_261 = arith.constant 0 : i32
        %parallel_loop3A_262 = arith.index_cast %parallel_loop3A_261 : i32 to index
        %parallel_loop3A_263 = arith.index_cast %parallel_loop3A_235 : i32 to index
        %parallel_loop3A_264 = arith.constant 16 : index
        %parallel_loop3A_265 = tpu.vector_load %arg6[%parallel_loop3A_262, %parallel_loop3A_263, %parallel_loop3A_264] {strides = array<i32>} : memref<4x400x64xf32, #tpu.memory_space<vmem>>, vector<1x1x16xf32>,
        %parallel_loop3A_266 = vector.shape_cast %parallel_loop3A_265 : vector<1x1x16xf32> to vector<16xf32>
        %parallel_loop3A_267 = vector.shape_cast %parallel_loop3A_260 : vector<16xf32> to vector<1x1x16xf32>
        tpu.vector_store %arg6[%parallel_loop3A_262, %parallel_loop3A_263, %parallel_loop3A_264], %parallel_loop3A_267 {strides = array<i32>} : memref<4x400x64xf32, #tpu.memory_space<vmem>>, vector<1x1x16xf32>,
        %parallel_loop3A_268 = arith.constant 0 : i32
        %parallel_loop3A_269 = arith.index_cast %parallel_loop3A_268 : i32 to index
        %parallel_loop3A_270 = arith.index_cast %parallel_loop3A_235 : i32 to index
        %parallel_loop3A_271 = arith.constant 32 : index
        %parallel_loop3A_272 = tpu.vector_load %arg6[%parallel_loop3A_269, %parallel_loop3A_270, %parallel_loop3A_271] {strides = array<i32>} : memref<4x400x64xf32, #tpu.memory_space<vmem>>, vector<1x1x16xf32>,
        %parallel_loop3A_273 = vector.shape_cast %parallel_loop3A_272 : vector<1x1x16xf32> to vector<16xf32>
        %parallel_loop3A_274 = arith.constant 8.000000e+00 : f32
        %parallel_loop3A_275 = vector.broadcast %parallel_loop3A_274 : f32 to vector<16xf32>
        %parallel_loop3A_276 = arith.mulf %parallel_loop3A_273, %parallel_loop3A_275 : vector<16xf32>
        %parallel_loop3A_277 = arith.constant 0 : i32
        %parallel_loop3A_278 = arith.index_cast %parallel_loop3A_277 : i32 to index
        %parallel_loop3A_279 = arith.index_cast %parallel_loop3A_235 : i32 to index
        %parallel_loop3A_280 = arith.constant 32 : index
        %parallel_loop3A_281 = tpu.vector_load %arg6[%parallel_loop3A_278, %parallel_loop3A_279, %parallel_loop3A_280] {strides = array<i32>} : memref<4x400x64xf32, #tpu.memory_space<vmem>>, vector<1x1x16xf32>,
        %parallel_loop3A_282 = vector.shape_cast %parallel_loop3A_281 : vector<1x1x16xf32> to vector<16xf32>
        %parallel_loop3A_283 = vector.shape_cast %parallel_loop3A_276 : vector<16xf32> to vector<1x1x16xf32>
        tpu.vector_store %arg6[%parallel_loop3A_278, %parallel_loop3A_279, %parallel_loop3A_280], %parallel_loop3A_283 {strides = array<i32>} : memref<4x400x64xf32, #tpu.memory_space<vmem>>, vector<1x1x16xf32>,
        %parallel_loop3A_284 = arith.constant 0 : i32
        %parallel_loop3A_285 = arith.index_cast %parallel_loop3A_284 : i32 to index
        %parallel_loop3A_286 = arith.index_cast %parallel_loop3A_235 : i32 to index
        %parallel_loop3A_287 = arith.constant 48 : index
        %parallel_loop3A_288 = tpu.vector_load %arg6[%parallel_loop3A_285, %parallel_loop3A_286, %parallel_loop3A_287] {strides = array<i32>} : memref<4x400x64xf32, #tpu.memory_space<vmem>>, vector<1x1x16xf32>,
        %parallel_loop3A_289 = vector.shape_cast %parallel_loop3A_288 : vector<1x1x16xf32> to vector<16xf32>
        %parallel_loop3A_290 = arith.constant 8.000000e+00 : f32
        %parallel_loop3A_291 = vector.broadcast %parallel_loop3A_290 : f32 to vector<16xf32>
        %parallel_loop3A_292 = arith.mulf %parallel_loop3A_289, %parallel_loop3A_291 : vector<16xf32>
        %parallel_loop3A_293 = arith.constant 0 : i32
        %parallel_loop3A_294 = arith.index_cast %parallel_loop3A_293 : i32 to index
        %parallel_loop3A_295 = arith.index_cast %parallel_loop3A_235 : i32 to index
        %parallel_loop3A_296 = arith.constant 48 : index
        %parallel_loop3A_297 = tpu.vector_load %arg6[%parallel_loop3A_294, %parallel_loop3A_295, %parallel_loop3A_296] {strides = array<i32>} : memref<4x400x64xf32, #tpu.memory_space<vmem>>, vector<1x1x16xf32>,
        %parallel_loop3A_298 = vector.shape_cast %parallel_loop3A_297 : vector<1x1x16xf32> to vector<16xf32>
        %parallel_loop3A_299 = vector.shape_cast %parallel_loop3A_292 : vector<16xf32> to vector<1x1x16xf32>
        tpu.vector_store %arg6[%parallel_loop3A_294, %parallel_loop3A_295, %parallel_loop3A_296], %parallel_loop3A_299 {strides = array<i32>} : memref<4x400x64xf32, #tpu.memory_space<vmem>>, vector<1x1x16xf32>,
      } {sc.loop_unroll_factor = 8 : i64, sc.parallel_access}
      %mul3A_99 = arith.constant 400 : i32
      %mul3A_100 = arith.muli %add3A_82, %mul3A_99 : i32
      %add3A_101 = arith.addi %mul3A_2, %mul3A_100 : i32
      %dma_start3A_102 = arith.constant 0 : i32
      %dma_start3A_103 = arith.constant 0 : i32
      %dma_start3A_104 = arith.constant 0 : i32
      %dma_start3A_105 = tpu.memref_slice %arg6[%dma_start3A_102, %dma_start3A_103, %dma_start3A_104] : memref<4x400x64xf32, #tpu.memory_space<vmem>> -> memref<1x400x64xf32, #tpu.memory_space<vmem>>
      %dma_start3A_106 = tpu.memref_squeeze %dma_start3A_105 : memref<1x400x64xf32, #tpu.memory_space<vmem>> -> memref<400x64xf32, #tpu.memory_space<vmem>>
      %dma_start3A_107 = arith.constant 0 : i32
      %dma_start3A_108 = tpu.memref_slice %arg4[%add3A_101, %dma_start3A_107] : memref<819200x64xf32, #tpu.memory_space<hbm>> -> memref<400x64xf32, #tpu.memory_space<hbm>>
      %dma_start3A_109 = arith.constant 0 : i32
      %dma_start3A_110 = tpu.memref_slice %arg4[%add3A_101, %dma_start3A_109] : memref<819200x64xf32, #tpu.memory_space<hbm>> -> memref<400x64xf32, #tpu.memory_space<hbm>>
      %dma_start3A_111 = arith.constant 0 : i32
      %dma_start3A_112 = arith.constant 0 : i32
      %dma_start3A_113 = tpu.memref_slice %arg6[%dma_start3A_102, %dma_start3A_111, %dma_start3A_112] : memref<4x400x64xf32, #tpu.memory_space<vmem>> -> memref<1x400x64xf32, #tpu.memory_space<vmem>>
      %dma_start3A_114 = tpu.memref_squeeze %dma_start3A_113 : memref<1x400x64xf32, #tpu.memory_space<vmem>> -> memref<400x64xf32, #tpu.memory_space<vmem>>
      tpu.enqueue_dma source(%dma_start3A_114 : memref<400x64xf32, #tpu.memory_space<vmem>>) target(%dma_start3A_110 : memref<400x64xf32, #tpu.memory_space<hbm>>) target_semaphore(%arg11 : memref<!tpu.dma_semaphore, #tpu.memory_space<semaphore_mem>>)
      %mul3A_115 = arith.constant 4 : i32
      %mul3A_116 = arith.muli %scan3A_78, %mul3A_115 : i32
      %add3A_117 = arith.constant 1 : i32
      %add3A_118 = arith.addi %mul3A_116, %add3A_117 : i32
      %add3A_119 = arith.constant 2 : i32
      %add3A_120 = arith.addi %add3A_118, %add3A_119 : i32
      %lt3A_121 = arith.constant 64 : i32
      %lt3A_122 = arith.cmpi slt, %add3A_120, %lt3A_121 : i32
      %convert_element_type3A_123 = arith.extui %lt3A_122 : i1 to i32
      %cond3A_124 = arith.constant 0 : i32
      %cond3A_125 = arith.cmpi ne, %convert_element_type3A_123, %cond3A_124 : i32
      scf.if %cond3A_125 {
        %ge3A = arith.constant 2 : i32
        %ge3A_235 = arith.cmpi sge, %add3A_118, %ge3A : i32
        %convert_element_type3A_236 = arith.extui %ge3A_235 : i1 to i32
        %cond3A_237 = arith.constant 0 : i32
        %cond3A_238 = arith.cmpi ne, %convert_element_type3A_236, %cond3A_237 : i32
        scf.if %cond3A_238 {
          %dma_wait3A_252 = arith.constant 3 : i32
          %dma_wait3A_253 = arith.constant 0 : i32
          %dma_wait3A_254 = arith.constant 0 : i32
          %dma_wait3A_255 = tpu.memref_slice %arg6[%dma_wait3A_252, %dma_wait3A_253, %dma_wait3A_254] : memref<4x400x64xf32, #tpu.memory_space<vmem>> -> memref<1x400x64xf32, #tpu.memory_space<vmem>>
          %dma_wait3A_256 = tpu.memref_squeeze %dma_wait3A_255 : memref<1x400x64xf32, #tpu.memory_space<vmem>> -> memref<400x64xf32, #tpu.memory_space<vmem>>
          %dma_wait3A_257 = arith.constant 0 : i32
          %dma_wait3A_258 = tpu.memref_slice %arg4[%mul3A_2, %dma_wait3A_257] : memref<819200x64xf32, #tpu.memory_space<hbm>> -> memref<400x64xf32, #tpu.memory_space<hbm>>
          %dma_wait3A_259 = arith.constant 0 : i32
          %dma_wait3A_260 = tpu.memref_slice %arg4[%mul3A_2, %dma_wait3A_259] : memref<819200x64xf32, #tpu.memory_space<hbm>> -> memref<400x64xf32, #tpu.memory_space<hbm>>
          %dma_wait3A_261 = arith.constant 0 : i32
          %dma_wait3A_262 = arith.constant 0 : i32
          %dma_wait3A_263 = tpu.memref_slice %arg6[%dma_wait3A_252, %dma_wait3A_261, %dma_wait3A_262] : memref<4x400x64xf32, #tpu.memory_space<vmem>> -> memref<1x400x64xf32, #tpu.memory_space<vmem>>
          %dma_wait3A_264 = tpu.memref_squeeze %dma_wait3A_263 : memref<1x400x64xf32, #tpu.memory_space<vmem>> -> memref<400x64xf32, #tpu.memory_space<vmem>>
          tpu.wait_dma2 semaphore(%arg14 : memref<!tpu.dma_semaphore, #tpu.memory_space<semaphore_mem>>) src(%dma_wait3A_264 : memref<400x64xf32, #tpu.memory_space<vmem>>) dst(%dma_wait3A_260 : memref<400x64xf32, #tpu.memory_space<hbm>>)
        } else {
        }
        %add3A_239 = arith.constant 2 : i32
        %add3A_240 = arith.addi %add3A_118, %add3A_239 : i32
        %mul3A_241 = arith.constant 400 : i32
        %mul3A_242 = arith.muli %add3A_240, %mul3A_241 : i32
        %dma_start3A_243 = arith.constant 3 : i32
        %dma_start3A_244 = arith.constant 0 : i32
        %dma_start3A_245 = arith.constant 0 : i32
        %dma_start3A_246 = tpu.memref_slice %arg6[%dma_start3A_243, %dma_start3A_244, %dma_start3A_245] : memref<4x400x64xf32, #tpu.memory_space<vmem>> -> memref<1x400x64xf32, #tpu.memory_space<vmem>>
        %dma_start3A_247 = tpu.memref_squeeze %dma_start3A_246 : memref<1x400x64xf32, #tpu.memory_space<vmem>> -> memref<400x64xf32, #tpu.memory_space<vmem>>
        %dma_start3A_248 = tpu.memref_slice %arg5[%mul3A_242] : memref<25600xi32, #tpu.memory_space<vmem>> -> memref<400xi32, #tpu.memory_space<vmem>>
        %dma_start3A_249 = arith.constant 0 : i32
        %dma_start3A_250 = arith.constant 0 : i32
        %dma_start3A_251 = tpu.memref_slice %arg2[%dma_start3A_249, %dma_start3A_250] : memref<1000000x64xf32, #tpu.memory_space<hbm>> -> memref<1000000x64xf32, #tpu.memory_space<hbm>>
        tpu.enqueue_indirect_dma source(%dma_start3A_251 : memref<1000000x64xf32, #tpu.memory_space<hbm>>) target(%dma_start3A_247 : memref<400x64xf32, #tpu.memory_space<vmem>>) offsets(%dma_start3A_248 : memref<400xi32, #tpu.memory_space<vmem>>) semaphore(%arg10 : memref<!tpu.dma_semaphore, #tpu.memory_space<semaphore_mem>>)
      } else {
      }
      %dma_wait3A_126 = arith.constant 1 : i32
      %dma_wait3A_127 = arith.constant 0 : i32
      %dma_wait3A_128 = arith.constant 0 : i32
      %dma_wait3A_129 = tpu.memref_slice %arg6[%dma_wait3A_126, %dma_wait3A_127, %dma_wait3A_128] : memref<4x400x64xf32, #tpu.memory_space<vmem>> -> memref<1x400x64xf32, #tpu.memory_space<vmem>>
      %dma_wait3A_130 = tpu.memref_squeeze %dma_wait3A_129 : memref<1x400x64xf32, #tpu.memory_space<vmem>> -> memref<400x64xf32, #tpu.memory_space<vmem>>
      %dma_wait3A_131 = arith.constant 0 : i32
      %dma_wait3A_132 = tpu.memref_slice %arg5[%dma_wait3A_131] : memref<25600xi32, #tpu.memory_space<vmem>> -> memref<400xi32, #tpu.memory_space<vmem>>
      %dma_wait3A_133 = arith.constant 0 : i32
      %dma_wait3A_134 = arith.constant 0 : i32
      %dma_wait3A_135 = tpu.memref_slice %arg2[%dma_wait3A_133, %dma_wait3A_134] : memref<1000000x64xf32, #tpu.memory_space<hbm>> -> memref<1000000x64xf32, #tpu.memory_space<hbm>>
      tpu.wait_indirect_dma semaphore(%arg8 : memref<!tpu.dma_semaphore, #tpu.memory_space<semaphore_mem>>) src(%dma_wait3A_135 : memref<1000000x64xf32, #tpu.memory_space<hbm>>) dst(%dma_wait3A_130 : memref<400x64xf32, #tpu.memory_space<vmem>>)
      %parallel_loop3A_136 = arith.constant 0 : i32
      %parallel_loop3A_137 = arith.constant 400 : i32
      %parallel_loop3A_138 = arith.constant 1 : i32
      scf.for %parallel_loop3A_235 = %parallel_loop3A_136 to %parallel_loop3A_137 step %parallel_loop3A_138  : i32 {
        %parallel_loop3A_236 = arith.constant 1 : i32
        %parallel_loop3A_237 = arith.index_cast %parallel_loop3A_236 : i32 to index
        %parallel_loop3A_238 = arith.index_cast %parallel_loop3A_235 : i32 to index
        %parallel_loop3A_239 = arith.constant 0 : index
        %parallel_loop3A_240 = tpu.vector_load %arg6[%parallel_loop3A_237, %parallel_loop3A_238, %parallel_loop3A_239] {strides = array<i32>} : memref<4x400x64xf32, #tpu.memory_space<vmem>>, vector<1x1x16xf32>,
        %parallel_loop3A_241 = vector.shape_cast %parallel_loop3A_240 : vector<1x1x16xf32> to vector<16xf32>
        %parallel_loop3A_242 = arith.constant 8.000000e+00 : f32
        %parallel_loop3A_243 = vector.broadcast %parallel_loop3A_242 : f32 to vector<16xf32>
        %parallel_loop3A_244 = arith.mulf %parallel_loop3A_241, %parallel_loop3A_243 : vector<16xf32>
        %parallel_loop3A_245 = arith.constant 1 : i32
        %parallel_loop3A_246 = arith.index_cast %parallel_loop3A_245 : i32 to index
        %parallel_loop3A_247 = arith.index_cast %parallel_loop3A_235 : i32 to index
        %parallel_loop3A_248 = arith.constant 0 : index
        %parallel_loop3A_249 = tpu.vector_load %arg6[%parallel_loop3A_246, %parallel_loop3A_247, %parallel_loop3A_248] {strides = array<i32>} : memref<4x400x64xf32, #tpu.memory_space<vmem>>, vector<1x1x16xf32>,
        %parallel_loop3A_250 = vector.shape_cast %parallel_loop3A_249 : vector<1x1x16xf32> to vector<16xf32>
        %parallel_loop3A_251 = vector.shape_cast %parallel_loop3A_244 : vector<16xf32> to vector<1x1x16xf32>
        tpu.vector_store %arg6[%parallel_loop3A_246, %parallel_loop3A_247, %parallel_loop3A_248], %parallel_loop3A_251 {strides = array<i32>} : memref<4x400x64xf32, #tpu.memory_space<vmem>>, vector<1x1x16xf32>,
        %parallel_loop3A_252 = arith.constant 1 : i32
        %parallel_loop3A_253 = arith.index_cast %parallel_loop3A_252 : i32 to index
        %parallel_loop3A_254 = arith.index_cast %parallel_loop3A_235 : i32 to index
        %parallel_loop3A_255 = arith.constant 16 : index
        %parallel_loop3A_256 = tpu.vector_load %arg6[%parallel_loop3A_253, %parallel_loop3A_254, %parallel_loop3A_255] {strides = array<i32>} : memref<4x400x64xf32, #tpu.memory_space<vmem>>, vector<1x1x16xf32>,
        %parallel_loop3A_257 = vector.shape_cast %parallel_loop3A_256 : vector<1x1x16xf32> to vector<16xf32>
        %parallel_loop3A_258 = arith.constant 8.000000e+00 : f32
        %parallel_loop3A_259 = vector.broadcast %parallel_loop3A_258 : f32 to vector<16xf32>
        %parallel_loop3A_260 = arith.mulf %parallel_loop3A_257, %parallel_loop3A_259 : vector<16xf32>
        %parallel_loop3A_261 = arith.constant 1 : i32
        %parallel_loop3A_262 = arith.index_cast %parallel_loop3A_261 : i32 to index
        %parallel_loop3A_263 = arith.index_cast %parallel_loop3A_235 : i32 to index
        %parallel_loop3A_264 = arith.constant 16 : index
        %parallel_loop3A_265 = tpu.vector_load %arg6[%parallel_loop3A_262, %parallel_loop3A_263, %parallel_loop3A_264] {strides = array<i32>} : memref<4x400x64xf32, #tpu.memory_space<vmem>>, vector<1x1x16xf32>,
        %parallel_loop3A_266 = vector.shape_cast %parallel_loop3A_265 : vector<1x1x16xf32> to vector<16xf32>
        %parallel_loop3A_267 = vector.shape_cast %parallel_loop3A_260 : vector<16xf32> to vector<1x1x16xf32>
        tpu.vector_store %arg6[%parallel_loop3A_262, %parallel_loop3A_263, %parallel_loop3A_264], %parallel_loop3A_267 {strides = array<i32>} : memref<4x400x64xf32, #tpu.memory_space<vmem>>, vector<1x1x16xf32>,
        %parallel_loop3A_268 = arith.constant 1 : i32
        %parallel_loop3A_269 = arith.index_cast %parallel_loop3A_268 : i32 to index
        %parallel_loop3A_270 = arith.index_cast %parallel_loop3A_235 : i32 to index
        %parallel_loop3A_271 = arith.constant 32 : index
        %parallel_loop3A_272 = tpu.vector_load %arg6[%parallel_loop3A_269, %parallel_loop3A_270, %parallel_loop3A_271] {strides = array<i32>} : memref<4x400x64xf32, #tpu.memory_space<vmem>>, vector<1x1x16xf32>,
        %parallel_loop3A_273 = vector.shape_cast %parallel_loop3A_272 : vector<1x1x16xf32> to vector<16xf32>
        %parallel_loop3A_274 = arith.constant 8.000000e+00 : f32
        %parallel_loop3A_275 = vector.broadcast %parallel_loop3A_274 : f32 to vector<16xf32>
        %parallel_loop3A_276 = arith.mulf %parallel_loop3A_273, %parallel_loop3A_275 : vector<16xf32>
        %parallel_loop3A_277 = arith.constant 1 : i32
        %parallel_loop3A_278 = arith.index_cast %parallel_loop3A_277 : i32 to index
        %parallel_loop3A_279 = arith.index_cast %parallel_loop3A_235 : i32 to index
        %parallel_loop3A_280 = arith.constant 32 : index
        %parallel_loop3A_281 = tpu.vector_load %arg6[%parallel_loop3A_278, %parallel_loop3A_279, %parallel_loop3A_280] {strides = array<i32>} : memref<4x400x64xf32, #tpu.memory_space<vmem>>, vector<1x1x16xf32>,
        %parallel_loop3A_282 = vector.shape_cast %parallel_loop3A_281 : vector<1x1x16xf32> to vector<16xf32>
        %parallel_loop3A_283 = vector.shape_cast %parallel_loop3A_276 : vector<16xf32> to vector<1x1x16xf32>
        tpu.vector_store %arg6[%parallel_loop3A_278, %parallel_loop3A_279, %parallel_loop3A_280], %parallel_loop3A_283 {strides = array<i32>} : memref<4x400x64xf32, #tpu.memory_space<vmem>>, vector<1x1x16xf32>,
        %parallel_loop3A_284 = arith.constant 1 : i32
        %parallel_loop3A_285 = arith.index_cast %parallel_loop3A_284 : i32 to index
        %parallel_loop3A_286 = arith.index_cast %parallel_loop3A_235 : i32 to index
        %parallel_loop3A_287 = arith.constant 48 : index
        %parallel_loop3A_288 = tpu.vector_load %arg6[%parallel_loop3A_285, %parallel_loop3A_286, %parallel_loop3A_287] {strides = array<i32>} : memref<4x400x64xf32, #tpu.memory_space<vmem>>, vector<1x1x16xf32>,
        %parallel_loop3A_289 = vector.shape_cast %parallel_loop3A_288 : vector<1x1x16xf32> to vector<16xf32>
        %parallel_loop3A_290 = arith.constant 8.000000e+00 : f32
        %parallel_loop3A_291 = vector.broadcast %parallel_loop3A_290 : f32 to vector<16xf32>
        %parallel_loop3A_292 = arith.mulf %parallel_loop3A_289, %parallel_loop3A_291 : vector<16xf32>
        %parallel_loop3A_293 = arith.constant 1 : i32
        %parallel_loop3A_294 = arith.index_cast %parallel_loop3A_293 : i32 to index
        %parallel_loop3A_295 = arith.index_cast %parallel_loop3A_235 : i32 to index
        %parallel_loop3A_296 = arith.constant 48 : index
        %parallel_loop3A_297 = tpu.vector_load %arg6[%parallel_loop3A_294, %parallel_loop3A_295, %parallel_loop3A_296] {strides = array<i32>} : memref<4x400x64xf32, #tpu.memory_space<vmem>>, vector<1x1x16xf32>,
        %parallel_loop3A_298 = vector.shape_cast %parallel_loop3A_297 : vector<1x1x16xf32> to vector<16xf32>
        %parallel_loop3A_299 = vector.shape_cast %parallel_loop3A_292 : vector<16xf32> to vector<1x1x16xf32>
        tpu.vector_store %arg6[%parallel_loop3A_294, %parallel_loop3A_295, %parallel_loop3A_296], %parallel_loop3A_299 {strides = array<i32>} : memref<4x400x64xf32, #tpu.memory_space<vmem>>, vector<1x1x16xf32>,
      } {sc.loop_unroll_factor = 8 : i64, sc.parallel_access}
      %mul3A_139 = arith.constant 400 : i32
      %mul3A_140 = arith.muli %add3A_118, %mul3A_139 : i32
      %add3A_141 = arith.addi %mul3A_2, %mul3A_140 : i32
      %dma_start3A_142 = arith.constant 1 : i32
      %dma_start3A_143 = arith.constant 0 : i32
      %dma_start3A_144 = arith.constant 0 : i32
      %dma_start3A_145 = tpu.memref_slice %arg6[%dma_start3A_142, %dma_start3A_143, %dma_start3A_144] : memref<4x400x64xf32, #tpu.memory_space<vmem>> -> memref<1x400x64xf32, #tpu.memory_space<vmem>>
      %dma_start3A_146 = tpu.memref_squeeze %dma_start3A_145 : memref<1x400x64xf32, #tpu.memory_space<vmem>> -> memref<400x64xf32, #tpu.memory_space<vmem>>
      %dma_start3A_147 = arith.constant 0 : i32
      %dma_start3A_148 = tpu.memref_slice %arg4[%add3A_141, %dma_start3A_147] : memref<819200x64xf32, #tpu.memory_space<hbm>> -> memref<400x64xf32, #tpu.memory_space<hbm>>
      %dma_start3A_149 = arith.constant 0 : i32
      %dma_start3A_150 = tpu.memref_slice %arg4[%add3A_141, %dma_start3A_149] : memref<819200x64xf32, #tpu.memory_space<hbm>> -> memref<400x64xf32, #tpu.memory_space<hbm>>
      %dma_start3A_151 = arith.constant 0 : i32
      %dma_start3A_152 = arith.constant 0 : i32
      %dma_start3A_153 = tpu.memref_slice %arg6[%dma_start3A_142, %dma_start3A_151, %dma_start3A_152] : memref<4x400x64xf32, #tpu.memory_space<vmem>> -> memref<1x400x64xf32, #tpu.memory_space<vmem>>
      %dma_start3A_154 = tpu.memref_squeeze %dma_start3A_153 : memref<1x400x64xf32, #tpu.memory_space<vmem>> -> memref<400x64xf32, #tpu.memory_space<vmem>>
      tpu.enqueue_dma source(%dma_start3A_154 : memref<400x64xf32, #tpu.memory_space<vmem>>) target(%dma_start3A_150 : memref<400x64xf32, #tpu.memory_space<hbm>>) target_semaphore(%arg12 : memref<!tpu.dma_semaphore, #tpu.memory_space<semaphore_mem>>)
      %mul3A_155 = arith.constant 4 : i32
      %mul3A_156 = arith.muli %scan3A_78, %mul3A_155 : i32
      %add3A_157 = arith.constant 2 : i32
      %add3A_158 = arith.addi %mul3A_156, %add3A_157 : i32
      %add3A_159 = arith.constant 2 : i32
      %add3A_160 = arith.addi %add3A_158, %add3A_159 : i32
      %lt3A_161 = arith.constant 64 : i32
      %lt3A_162 = arith.cmpi slt, %add3A_160, %lt3A_161 : i32
      %convert_element_type3A_163 = arith.extui %lt3A_162 : i1 to i32
      %cond3A_164 = arith.constant 0 : i32
      %cond3A_165 = arith.cmpi ne, %convert_element_type3A_163, %cond3A_164 : i32
      scf.if %cond3A_165 {
        %ge3A = arith.constant 2 : i32
        %ge3A_235 = arith.cmpi sge, %add3A_158, %ge3A : i32
        %convert_element_type3A_236 = arith.extui %ge3A_235 : i1 to i32
        %cond3A_237 = arith.constant 0 : i32
        %cond3A_238 = arith.cmpi ne, %convert_element_type3A_236, %cond3A_237 : i32
        scf.if %cond3A_238 {
          %dma_wait3A_252 = arith.constant 0 : i32
          %dma_wait3A_253 = arith.constant 0 : i32
          %dma_wait3A_254 = arith.constant 0 : i32
          %dma_wait3A_255 = tpu.memref_slice %arg6[%dma_wait3A_252, %dma_wait3A_253, %dma_wait3A_254] : memref<4x400x64xf32, #tpu.memory_space<vmem>> -> memref<1x400x64xf32, #tpu.memory_space<vmem>>
          %dma_wait3A_256 = tpu.memref_squeeze %dma_wait3A_255 : memref<1x400x64xf32, #tpu.memory_space<vmem>> -> memref<400x64xf32, #tpu.memory_space<vmem>>
          %dma_wait3A_257 = arith.constant 0 : i32
          %dma_wait3A_258 = tpu.memref_slice %arg4[%mul3A_2, %dma_wait3A_257] : memref<819200x64xf32, #tpu.memory_space<hbm>> -> memref<400x64xf32, #tpu.memory_space<hbm>>
          %dma_wait3A_259 = arith.constant 0 : i32
          %dma_wait3A_260 = tpu.memref_slice %arg4[%mul3A_2, %dma_wait3A_259] : memref<819200x64xf32, #tpu.memory_space<hbm>> -> memref<400x64xf32, #tpu.memory_space<hbm>>
          %dma_wait3A_261 = arith.constant 0 : i32
          %dma_wait3A_262 = arith.constant 0 : i32
          %dma_wait3A_263 = tpu.memref_slice %arg6[%dma_wait3A_252, %dma_wait3A_261, %dma_wait3A_262] : memref<4x400x64xf32, #tpu.memory_space<vmem>> -> memref<1x400x64xf32, #tpu.memory_space<vmem>>
          %dma_wait3A_264 = tpu.memref_squeeze %dma_wait3A_263 : memref<1x400x64xf32, #tpu.memory_space<vmem>> -> memref<400x64xf32, #tpu.memory_space<vmem>>
          tpu.wait_dma2 semaphore(%arg11 : memref<!tpu.dma_semaphore, #tpu.memory_space<semaphore_mem>>) src(%dma_wait3A_264 : memref<400x64xf32, #tpu.memory_space<vmem>>) dst(%dma_wait3A_260 : memref<400x64xf32, #tpu.memory_space<hbm>>)
        } else {
        }
        %add3A_239 = arith.constant 2 : i32
        %add3A_240 = arith.addi %add3A_158, %add3A_239 : i32
        %mul3A_241 = arith.constant 400 : i32
        %mul3A_242 = arith.muli %add3A_240, %mul3A_241 : i32
        %dma_start3A_243 = arith.constant 0 : i32
        %dma_start3A_244 = arith.constant 0 : i32
        %dma_start3A_245 = arith.constant 0 : i32
        %dma_start3A_246 = tpu.memref_slice %arg6[%dma_start3A_243, %dma_start3A_244, %dma_start3A_245] : memref<4x400x64xf32, #tpu.memory_space<vmem>> -> memref<1x400x64xf32, #tpu.memory_space<vmem>>
        %dma_start3A_247 = tpu.memref_squeeze %dma_start3A_246 : memref<1x400x64xf32, #tpu.memory_space<vmem>> -> memref<400x64xf32, #tpu.memory_space<vmem>>
        %dma_start3A_248 = tpu.memref_slice %arg5[%mul3A_242] : memref<25600xi32, #tpu.memory_space<vmem>> -> memref<400xi32, #tpu.memory_space<vmem>>
        %dma_start3A_249 = arith.constant 0 : i32
        %dma_start3A_250 = arith.constant 0 : i32
        %dma_start3A_251 = tpu.memref_slice %arg2[%dma_start3A_249, %dma_start3A_250] : memref<1000000x64xf32, #tpu.memory_space<hbm>> -> memref<1000000x64xf32, #tpu.memory_space<hbm>>
        tpu.enqueue_indirect_dma source(%dma_start3A_251 : memref<1000000x64xf32, #tpu.memory_space<hbm>>) target(%dma_start3A_247 : memref<400x64xf32, #tpu.memory_space<vmem>>) offsets(%dma_start3A_248 : memref<400xi32, #tpu.memory_space<vmem>>) semaphore(%arg7 : memref<!tpu.dma_semaphore, #tpu.memory_space<semaphore_mem>>)
      } else {
      }
      %dma_wait3A_166 = arith.constant 2 : i32
      %dma_wait3A_167 = arith.constant 0 : i32
      %dma_wait3A_168 = arith.constant 0 : i32
      %dma_wait3A_169 = tpu.memref_slice %arg6[%dma_wait3A_166, %dma_wait3A_167, %dma_wait3A_168] : memref<4x400x64xf32, #tpu.memory_space<vmem>> -> memref<1x400x64xf32, #tpu.memory_space<vmem>>
      %dma_wait3A_170 = tpu.memref_squeeze %dma_wait3A_169 : memref<1x400x64xf32, #tpu.memory_space<vmem>> -> memref<400x64xf32, #tpu.memory_space<vmem>>
      %dma_wait3A_171 = arith.constant 0 : i32
      %dma_wait3A_172 = tpu.memref_slice %arg5[%dma_wait3A_171] : memref<25600xi32, #tpu.memory_space<vmem>> -> memref<400xi32, #tpu.memory_space<vmem>>
      %dma_wait3A_173 = arith.constant 0 : i32
      %dma_wait3A_174 = arith.constant 0 : i32
      %dma_wait3A_175 = tpu.memref_slice %arg2[%dma_wait3A_173, %dma_wait3A_174] : memref<1000000x64xf32, #tpu.memory_space<hbm>> -> memref<1000000x64xf32, #tpu.memory_space<hbm>>
      tpu.wait_indirect_dma semaphore(%arg9 : memref<!tpu.dma_semaphore, #tpu.memory_space<semaphore_mem>>) src(%dma_wait3A_175 : memref<1000000x64xf32, #tpu.memory_space<hbm>>) dst(%dma_wait3A_170 : memref<400x64xf32, #tpu.memory_space<vmem>>)
      %parallel_loop3A_176 = arith.constant 0 : i32
      %parallel_loop3A_177 = arith.constant 400 : i32
      %parallel_loop3A_178 = arith.constant 1 : i32
      scf.for %parallel_loop3A_235 = %parallel_loop3A_176 to %parallel_loop3A_177 step %parallel_loop3A_178  : i32 {
        %parallel_loop3A_236 = arith.constant 2 : i32
        %parallel_loop3A_237 = arith.index_cast %parallel_loop3A_236 : i32 to index
        %parallel_loop3A_238 = arith.index_cast %parallel_loop3A_235 : i32 to index
        %parallel_loop3A_239 = arith.constant 0 : index
        %parallel_loop3A_240 = tpu.vector_load %arg6[%parallel_loop3A_237, %parallel_loop3A_238, %parallel_loop3A_239] {strides = array<i32>} : memref<4x400x64xf32, #tpu.memory_space<vmem>>, vector<1x1x16xf32>,
        %parallel_loop3A_241 = vector.shape_cast %parallel_loop3A_240 : vector<1x1x16xf32> to vector<16xf32>
        %parallel_loop3A_242 = arith.constant 8.000000e+00 : f32
        %parallel_loop3A_243 = vector.broadcast %parallel_loop3A_242 : f32 to vector<16xf32>
        %parallel_loop3A_244 = arith.mulf %parallel_loop3A_241, %parallel_loop3A_243 : vector<16xf32>
        %parallel_loop3A_245 = arith.constant 2 : i32
        %parallel_loop3A_246 = arith.index_cast %parallel_loop3A_245 : i32 to index
        %parallel_loop3A_247 = arith.index_cast %parallel_loop3A_235 : i32 to index
        %parallel_loop3A_248 = arith.constant 0 : index
        %parallel_loop3A_249 = tpu.vector_load %arg6[%parallel_loop3A_246, %parallel_loop3A_247, %parallel_loop3A_248] {strides = array<i32>} : memref<4x400x64xf32, #tpu.memory_space<vmem>>, vector<1x1x16xf32>,
        %parallel_loop3A_250 = vector.shape_cast %parallel_loop3A_249 : vector<1x1x16xf32> to vector<16xf32>
        %parallel_loop3A_251 = vector.shape_cast %parallel_loop3A_244 : vector<16xf32> to vector<1x1x16xf32>
        tpu.vector_store %arg6[%parallel_loop3A_246, %parallel_loop3A_247, %parallel_loop3A_248], %parallel_loop3A_251 {strides = array<i32>} : memref<4x400x64xf32, #tpu.memory_space<vmem>>, vector<1x1x16xf32>,
        %parallel_loop3A_252 = arith.constant 2 : i32
        %parallel_loop3A_253 = arith.index_cast %parallel_loop3A_252 : i32 to index
        %parallel_loop3A_254 = arith.index_cast %parallel_loop3A_235 : i32 to index
        %parallel_loop3A_255 = arith.constant 16 : index
        %parallel_loop3A_256 = tpu.vector_load %arg6[%parallel_loop3A_253, %parallel_loop3A_254, %parallel_loop3A_255] {strides = array<i32>} : memref<4x400x64xf32, #tpu.memory_space<vmem>>, vector<1x1x16xf32>,
        %parallel_loop3A_257 = vector.shape_cast %parallel_loop3A_256 : vector<1x1x16xf32> to vector<16xf32>
        %parallel_loop3A_258 = arith.constant 8.000000e+00 : f32
        %parallel_loop3A_259 = vector.broadcast %parallel_loop3A_258 : f32 to vector<16xf32>
        %parallel_loop3A_260 = arith.mulf %parallel_loop3A_257, %parallel_loop3A_259 : vector<16xf32>
        %parallel_loop3A_261 = arith.constant 2 : i32
        %parallel_loop3A_262 = arith.index_cast %parallel_loop3A_261 : i32 to index
        %parallel_loop3A_263 = arith.index_cast %parallel_loop3A_235 : i32 to index
        %parallel_loop3A_264 = arith.constant 16 : index
        %parallel_loop3A_265 = tpu.vector_load %arg6[%parallel_loop3A_262, %parallel_loop3A_263, %parallel_loop3A_264] {strides = array<i32>} : memref<4x400x64xf32, #tpu.memory_space<vmem>>, vector<1x1x16xf32>,
        %parallel_loop3A_266 = vector.shape_cast %parallel_loop3A_265 : vector<1x1x16xf32> to vector<16xf32>
        %parallel_loop3A_267 = vector.shape_cast %parallel_loop3A_260 : vector<16xf32> to vector<1x1x16xf32>
        tpu.vector_store %arg6[%parallel_loop3A_262, %parallel_loop3A_263, %parallel_loop3A_264], %parallel_loop3A_267 {strides = array<i32>} : memref<4x400x64xf32, #tpu.memory_space<vmem>>, vector<1x1x16xf32>,
        %parallel_loop3A_268 = arith.constant 2 : i32
        %parallel_loop3A_269 = arith.index_cast %parallel_loop3A_268 : i32 to index
        %parallel_loop3A_270 = arith.index_cast %parallel_loop3A_235 : i32 to index
        %parallel_loop3A_271 = arith.constant 32 : index
        %parallel_loop3A_272 = tpu.vector_load %arg6[%parallel_loop3A_269, %parallel_loop3A_270, %parallel_loop3A_271] {strides = array<i32>} : memref<4x400x64xf32, #tpu.memory_space<vmem>>, vector<1x1x16xf32>,
        %parallel_loop3A_273 = vector.shape_cast %parallel_loop3A_272 : vector<1x1x16xf32> to vector<16xf32>
        %parallel_loop3A_274 = arith.constant 8.000000e+00 : f32
        %parallel_loop3A_275 = vector.broadcast %parallel_loop3A_274 : f32 to vector<16xf32>
        %parallel_loop3A_276 = arith.mulf %parallel_loop3A_273, %parallel_loop3A_275 : vector<16xf32>
        %parallel_loop3A_277 = arith.constant 2 : i32
        %parallel_loop3A_278 = arith.index_cast %parallel_loop3A_277 : i32 to index
        %parallel_loop3A_279 = arith.index_cast %parallel_loop3A_235 : i32 to index
        %parallel_loop3A_280 = arith.constant 32 : index
        %parallel_loop3A_281 = tpu.vector_load %arg6[%parallel_loop3A_278, %parallel_loop3A_279, %parallel_loop3A_280] {strides = array<i32>} : memref<4x400x64xf32, #tpu.memory_space<vmem>>, vector<1x1x16xf32>,
        %parallel_loop3A_282 = vector.shape_cast %parallel_loop3A_281 : vector<1x1x16xf32> to vector<16xf32>
        %parallel_loop3A_283 = vector.shape_cast %parallel_loop3A_276 : vector<16xf32> to vector<1x1x16xf32>
        tpu.vector_store %arg6[%parallel_loop3A_278, %parallel_loop3A_279, %parallel_loop3A_280], %parallel_loop3A_283 {strides = array<i32>} : memref<4x400x64xf32, #tpu.memory_space<vmem>>, vector<1x1x16xf32>,
        %parallel_loop3A_284 = arith.constant 2 : i32
        %parallel_loop3A_285 = arith.index_cast %parallel_loop3A_284 : i32 to index
        %parallel_loop3A_286 = arith.index_cast %parallel_loop3A_235 : i32 to index
        %parallel_loop3A_287 = arith.constant 48 : index
        %parallel_loop3A_288 = tpu.vector_load %arg6[%parallel_loop3A_285, %parallel_loop3A_286, %parallel_loop3A_287] {strides = array<i32>} : memref<4x400x64xf32, #tpu.memory_space<vmem>>, vector<1x1x16xf32>,
        %parallel_loop3A_289 = vector.shape_cast %parallel_loop3A_288 : vector<1x1x16xf32> to vector<16xf32>
        %parallel_loop3A_290 = arith.constant 8.000000e+00 : f32
        %parallel_loop3A_291 = vector.broadcast %parallel_loop3A_290 : f32 to vector<16xf32>
        %parallel_loop3A_292 = arith.mulf %parallel_loop3A_289, %parallel_loop3A_291 : vector<16xf32>
        %parallel_loop3A_293 = arith.constant 2 : i32
        %parallel_loop3A_294 = arith.index_cast %parallel_loop3A_293 : i32 to index
        %parallel_loop3A_295 = arith.index_cast %parallel_loop3A_235 : i32 to index
        %parallel_loop3A_296 = arith.constant 48 : index
        %parallel_loop3A_297 = tpu.vector_load %arg6[%parallel_loop3A_294, %parallel_loop3A_295, %parallel_loop3A_296] {strides = array<i32>} : memref<4x400x64xf32, #tpu.memory_space<vmem>>, vector<1x1x16xf32>,
        %parallel_loop3A_298 = vector.shape_cast %parallel_loop3A_297 : vector<1x1x16xf32> to vector<16xf32>
        %parallel_loop3A_299 = vector.shape_cast %parallel_loop3A_292 : vector<16xf32> to vector<1x1x16xf32>
        tpu.vector_store %arg6[%parallel_loop3A_294, %parallel_loop3A_295, %parallel_loop3A_296], %parallel_loop3A_299 {strides = array<i32>} : memref<4x400x64xf32, #tpu.memory_space<vmem>>, vector<1x1x16xf32>,
      } {sc.loop_unroll_factor = 8 : i64, sc.parallel_access}
      %mul3A_179 = arith.constant 400 : i32
      %mul3A_180 = arith.muli %add3A_158, %mul3A_179 : i32
      %add3A_181 = arith.addi %mul3A_2, %mul3A_180 : i32
      %dma_start3A_182 = arith.constant 2 : i32
      %dma_start3A_183 = arith.constant 0 : i32
      %dma_start3A_184 = arith.constant 0 : i32
      %dma_start3A_185 = tpu.memref_slice %arg6[%dma_start3A_182, %dma_start3A_183, %dma_start3A_184] : memref<4x400x64xf32, #tpu.memory_space<vmem>> -> memref<1x400x64xf32, #tpu.memory_space<vmem>>
      %dma_start3A_186 = tpu.memref_squeeze %dma_start3A_185 : memref<1x400x64xf32, #tpu.memory_space<vmem>> -> memref<400x64xf32, #tpu.memory_space<vmem>>
      %dma_start3A_187 = arith.constant 0 : i32
      %dma_start3A_188 = tpu.memref_slice %arg4[%add3A_181, %dma_start3A_187] : memref<819200x64xf32, #tpu.memory_space<hbm>> -> memref<400x64xf32, #tpu.memory_space<hbm>>
      %dma_start3A_189 = arith.constant 0 : i32
      %dma_start3A_190 = tpu.memref_slice %arg4[%add3A_181, %dma_start3A_189] : memref<819200x64xf32, #tpu.memory_space<hbm>> -> memref<400x64xf32, #tpu.memory_space<hbm>>
      %dma_start3A_191 = arith.constant 0 : i32
      %dma_start3A_192 = arith.constant 0 : i32
      %dma_start3A_193 = tpu.memref_slice %arg6[%dma_start3A_182, %dma_start3A_191, %dma_start3A_192] : memref<4x400x64xf32, #tpu.memory_space<vmem>> -> memref<1x400x64xf32, #tpu.memory_space<vmem>>
      %dma_start3A_194 = tpu.memref_squeeze %dma_start3A_193 : memref<1x400x64xf32, #tpu.memory_space<vmem>> -> memref<400x64xf32, #tpu.memory_space<vmem>>
      tpu.enqueue_dma source(%dma_start3A_194 : memref<400x64xf32, #tpu.memory_space<vmem>>) target(%dma_start3A_190 : memref<400x64xf32, #tpu.memory_space<hbm>>) target_semaphore(%arg13 : memref<!tpu.dma_semaphore, #tpu.memory_space<semaphore_mem>>)
      %mul3A_195 = arith.constant 4 : i32
      %mul3A_196 = arith.muli %scan3A_78, %mul3A_195 : i32
      %add3A_197 = arith.constant 3 : i32
      %add3A_198 = arith.addi %mul3A_196, %add3A_197 : i32
      %add3A_199 = arith.constant 2 : i32
      %add3A_200 = arith.addi %add3A_198, %add3A_199 : i32
      %lt3A_201 = arith.constant 64 : i32
      %lt3A_202 = arith.cmpi slt, %add3A_200, %lt3A_201 : i32
      %convert_element_type3A_203 = arith.extui %lt3A_202 : i1 to i32
      %cond3A_204 = arith.constant 0 : i32
      %cond3A_205 = arith.cmpi ne, %convert_element_type3A_203, %cond3A_204 : i32
      scf.if %cond3A_205 {
        %ge3A = arith.constant 2 : i32
        %ge3A_235 = arith.cmpi sge, %add3A_198, %ge3A : i32
        %convert_element_type3A_236 = arith.extui %ge3A_235 : i1 to i32
        %cond3A_237 = arith.constant 0 : i32
        %cond3A_238 = arith.cmpi ne, %convert_element_type3A_236, %cond3A_237 : i32
        scf.if %cond3A_238 {
          %dma_wait3A_252 = arith.constant 1 : i32
          %dma_wait3A_253 = arith.constant 0 : i32
          %dma_wait3A_254 = arith.constant 0 : i32
          %dma_wait3A_255 = tpu.memref_slice %arg6[%dma_wait3A_252, %dma_wait3A_253, %dma_wait3A_254] : memref<4x400x64xf32, #tpu.memory_space<vmem>> -> memref<1x400x64xf32, #tpu.memory_space<vmem>>
          %dma_wait3A_256 = tpu.memref_squeeze %dma_wait3A_255 : memref<1x400x64xf32, #tpu.memory_space<vmem>> -> memref<400x64xf32, #tpu.memory_space<vmem>>
          %dma_wait3A_257 = arith.constant 0 : i32
          %dma_wait3A_258 = tpu.memref_slice %arg4[%mul3A_2, %dma_wait3A_257] : memref<819200x64xf32, #tpu.memory_space<hbm>> -> memref<400x64xf32, #tpu.memory_space<hbm>>
          %dma_wait3A_259 = arith.constant 0 : i32
          %dma_wait3A_260 = tpu.memref_slice %arg4[%mul3A_2, %dma_wait3A_259] : memref<819200x64xf32, #tpu.memory_space<hbm>> -> memref<400x64xf32, #tpu.memory_space<hbm>>
          %dma_wait3A_261 = arith.constant 0 : i32
          %dma_wait3A_262 = arith.constant 0 : i32
          %dma_wait3A_263 = tpu.memref_slice %arg6[%dma_wait3A_252, %dma_wait3A_261, %dma_wait3A_262] : memref<4x400x64xf32, #tpu.memory_space<vmem>> -> memref<1x400x64xf32, #tpu.memory_space<vmem>>
          %dma_wait3A_264 = tpu.memref_squeeze %dma_wait3A_263 : memref<1x400x64xf32, #tpu.memory_space<vmem>> -> memref<400x64xf32, #tpu.memory_space<vmem>>
          tpu.wait_dma2 semaphore(%arg12 : memref<!tpu.dma_semaphore, #tpu.memory_space<semaphore_mem>>) src(%dma_wait3A_264 : memref<400x64xf32, #tpu.memory_space<vmem>>) dst(%dma_wait3A_260 : memref<400x64xf32, #tpu.memory_space<hbm>>)
        } else {
        }
        %add3A_239 = arith.constant 2 : i32
        %add3A_240 = arith.addi %add3A_198, %add3A_239 : i32
        %mul3A_241 = arith.constant 400 : i32
        %mul3A_242 = arith.muli %add3A_240, %mul3A_241 : i32
        %dma_start3A_243 = arith.constant 1 : i32
        %dma_start3A_244 = arith.constant 0 : i32
        %dma_start3A_245 = arith.constant 0 : i32
        %dma_start3A_246 = tpu.memref_slice %arg6[%dma_start3A_243, %dma_start3A_244, %dma_start3A_245] : memref<4x400x64xf32, #tpu.memory_space<vmem>> -> memref<1x400x64xf32, #tpu.memory_space<vmem>>
        %dma_start3A_247 = tpu.memref_squeeze %dma_start3A_246 : memref<1x400x64xf32, #tpu.memory_space<vmem>> -> memref<400x64xf32, #tpu.memory_space<vmem>>
        %dma_start3A_248 = tpu.memref_slice %arg5[%mul3A_242] : memref<25600xi32, #tpu.memory_space<vmem>> -> memref<400xi32, #tpu.memory_space<vmem>>
        %dma_start3A_249 = arith.constant 0 : i32
        %dma_start3A_250 = arith.constant 0 : i32
        %dma_start3A_251 = tpu.memref_slice %arg2[%dma_start3A_249, %dma_start3A_250] : memref<1000000x64xf32, #tpu.memory_space<hbm>> -> memref<1000000x64xf32, #tpu.memory_space<hbm>>
        tpu.enqueue_indirect_dma source(%dma_start3A_251 : memref<1000000x64xf32, #tpu.memory_space<hbm>>) target(%dma_start3A_247 : memref<400x64xf32, #tpu.memory_space<vmem>>) offsets(%dma_start3A_248 : memref<400xi32, #tpu.memory_space<vmem>>) semaphore(%arg8 : memref<!tpu.dma_semaphore, #tpu.memory_space<semaphore_mem>>)
      } else {
      }
      %dma_wait3A_206 = arith.constant 3 : i32
      %dma_wait3A_207 = arith.constant 0 : i32
      %dma_wait3A_208 = arith.constant 0 : i32
      %dma_wait3A_209 = tpu.memref_slice %arg6[%dma_wait3A_206, %dma_wait3A_207, %dma_wait3A_208] : memref<4x400x64xf32, #tpu.memory_space<vmem>> -> memref<1x400x64xf32, #tpu.memory_space<vmem>>
      %dma_wait3A_210 = tpu.memref_squeeze %dma_wait3A_209 : memref<1x400x64xf32, #tpu.memory_space<vmem>> -> memref<400x64xf32, #tpu.memory_space<vmem>>
      %dma_wait3A_211 = arith.constant 0 : i32
      %dma_wait3A_212 = tpu.memref_slice %arg5[%dma_wait3A_211] : memref<25600xi32, #tpu.memory_space<vmem>> -> memref<400xi32, #tpu.memory_space<vmem>>
      %dma_wait3A_213 = arith.constant 0 : i32
      %dma_wait3A_214 = arith.constant 0 : i32
      %dma_wait3A_215 = tpu.memref_slice %arg2[%dma_wait3A_213, %dma_wait3A_214] : memref<1000000x64xf32, #tpu.memory_space<hbm>> -> memref<1000000x64xf32, #tpu.memory_space<hbm>>
      tpu.wait_indirect_dma semaphore(%arg10 : memref<!tpu.dma_semaphore, #tpu.memory_space<semaphore_mem>>) src(%dma_wait3A_215 : memref<1000000x64xf32, #tpu.memory_space<hbm>>) dst(%dma_wait3A_210 : memref<400x64xf32, #tpu.memory_space<vmem>>)
      %parallel_loop3A_216 = arith.constant 0 : i32
      %parallel_loop3A_217 = arith.constant 400 : i32
      %parallel_loop3A_218 = arith.constant 1 : i32
      scf.for %parallel_loop3A_235 = %parallel_loop3A_216 to %parallel_loop3A_217 step %parallel_loop3A_218  : i32 {
        %parallel_loop3A_236 = arith.constant 3 : i32
        %parallel_loop3A_237 = arith.index_cast %parallel_loop3A_236 : i32 to index
        %parallel_loop3A_238 = arith.index_cast %parallel_loop3A_235 : i32 to index
        %parallel_loop3A_239 = arith.constant 0 : index
        %parallel_loop3A_240 = tpu.vector_load %arg6[%parallel_loop3A_237, %parallel_loop3A_238, %parallel_loop3A_239] {strides = array<i32>} : memref<4x400x64xf32, #tpu.memory_space<vmem>>, vector<1x1x16xf32>,
        %parallel_loop3A_241 = vector.shape_cast %parallel_loop3A_240 : vector<1x1x16xf32> to vector<16xf32>
        %parallel_loop3A_242 = arith.constant 8.000000e+00 : f32
        %parallel_loop3A_243 = vector.broadcast %parallel_loop3A_242 : f32 to vector<16xf32>
        %parallel_loop3A_244 = arith.mulf %parallel_loop3A_241, %parallel_loop3A_243 : vector<16xf32>
        %parallel_loop3A_245 = arith.constant 3 : i32
        %parallel_loop3A_246 = arith.index_cast %parallel_loop3A_245 : i32 to index
        %parallel_loop3A_247 = arith.index_cast %parallel_loop3A_235 : i32 to index
        %parallel_loop3A_248 = arith.constant 0 : index
        %parallel_loop3A_249 = tpu.vector_load %arg6[%parallel_loop3A_246, %parallel_loop3A_247, %parallel_loop3A_248] {strides = array<i32>} : memref<4x400x64xf32, #tpu.memory_space<vmem>>, vector<1x1x16xf32>,
        %parallel_loop3A_250 = vector.shape_cast %parallel_loop3A_249 : vector<1x1x16xf32> to vector<16xf32>
        %parallel_loop3A_251 = vector.shape_cast %parallel_loop3A_244 : vector<16xf32> to vector<1x1x16xf32>
        tpu.vector_store %arg6[%parallel_loop3A_246, %parallel_loop3A_247, %parallel_loop3A_248], %parallel_loop3A_251 {strides = array<i32>} : memref<4x400x64xf32, #tpu.memory_space<vmem>>, vector<1x1x16xf32>,
        %parallel_loop3A_252 = arith.constant 3 : i32
        %parallel_loop3A_253 = arith.index_cast %parallel_loop3A_252 : i32 to index
        %parallel_loop3A_254 = arith.index_cast %parallel_loop3A_235 : i32 to index
        %parallel_loop3A_255 = arith.constant 16 : index
        %parallel_loop3A_256 = tpu.vector_load %arg6[%parallel_loop3A_253, %parallel_loop3A_254, %parallel_loop3A_255] {strides = array<i32>} : memref<4x400x64xf32, #tpu.memory_space<vmem>>, vector<1x1x16xf32>,
        %parallel_loop3A_257 = vector.shape_cast %parallel_loop3A_256 : vector<1x1x16xf32> to vector<16xf32>
        %parallel_loop3A_258 = arith.constant 8.000000e+00 : f32
        %parallel_loop3A_259 = vector.broadcast %parallel_loop3A_258 : f32 to vector<16xf32>
        %parallel_loop3A_260 = arith.mulf %parallel_loop3A_257, %parallel_loop3A_259 : vector<16xf32>
        %parallel_loop3A_261 = arith.constant 3 : i32
        %parallel_loop3A_262 = arith.index_cast %parallel_loop3A_261 : i32 to index
        %parallel_loop3A_263 = arith.index_cast %parallel_loop3A_235 : i32 to index
        %parallel_loop3A_264 = arith.constant 16 : index
        %parallel_loop3A_265 = tpu.vector_load %arg6[%parallel_loop3A_262, %parallel_loop3A_263, %parallel_loop3A_264] {strides = array<i32>} : memref<4x400x64xf32, #tpu.memory_space<vmem>>, vector<1x1x16xf32>,
        %parallel_loop3A_266 = vector.shape_cast %parallel_loop3A_265 : vector<1x1x16xf32> to vector<16xf32>
        %parallel_loop3A_267 = vector.shape_cast %parallel_loop3A_260 : vector<16xf32> to vector<1x1x16xf32>
        tpu.vector_store %arg6[%parallel_loop3A_262, %parallel_loop3A_263, %parallel_loop3A_264], %parallel_loop3A_267 {strides = array<i32>} : memref<4x400x64xf32, #tpu.memory_space<vmem>>, vector<1x1x16xf32>,
        %parallel_loop3A_268 = arith.constant 3 : i32
        %parallel_loop3A_269 = arith.index_cast %parallel_loop3A_268 : i32 to index
        %parallel_loop3A_270 = arith.index_cast %parallel_loop3A_235 : i32 to index
        %parallel_loop3A_271 = arith.constant 32 : index
        %parallel_loop3A_272 = tpu.vector_load %arg6[%parallel_loop3A_269, %parallel_loop3A_270, %parallel_loop3A_271] {strides = array<i32>} : memref<4x400x64xf32, #tpu.memory_space<vmem>>, vector<1x1x16xf32>,
        %parallel_loop3A_273 = vector.shape_cast %parallel_loop3A_272 : vector<1x1x16xf32> to vector<16xf32>
        %parallel_loop3A_274 = arith.constant 8.000000e+00 : f32
        %parallel_loop3A_275 = vector.broadcast %parallel_loop3A_274 : f32 to vector<16xf32>
        %parallel_loop3A_276 = arith.mulf %parallel_loop3A_273, %parallel_loop3A_275 : vector<16xf32>
        %parallel_loop3A_277 = arith.constant 3 : i32
        %parallel_loop3A_278 = arith.index_cast %parallel_loop3A_277 : i32 to index
        %parallel_loop3A_279 = arith.index_cast %parallel_loop3A_235 : i32 to index
        %parallel_loop3A_280 = arith.constant 32 : index
        %parallel_loop3A_281 = tpu.vector_load %arg6[%parallel_loop3A_278, %parallel_loop3A_279, %parallel_loop3A_280] {strides = array<i32>} : memref<4x400x64xf32, #tpu.memory_space<vmem>>, vector<1x1x16xf32>,
        %parallel_loop3A_282 = vector.shape_cast %parallel_loop3A_281 : vector<1x1x16xf32> to vector<16xf32>
        %parallel_loop3A_283 = vector.shape_cast %parallel_loop3A_276 : vector<16xf32> to vector<1x1x16xf32>
        tpu.vector_store %arg6[%parallel_loop3A_278, %parallel_loop3A_279, %parallel_loop3A_280], %parallel_loop3A_283 {strides = array<i32>} : memref<4x400x64xf32, #tpu.memory_space<vmem>>, vector<1x1x16xf32>,
        %parallel_loop3A_284 = arith.constant 3 : i32
        %parallel_loop3A_285 = arith.index_cast %parallel_loop3A_284 : i32 to index
        %parallel_loop3A_286 = arith.index_cast %parallel_loop3A_235 : i32 to index
        %parallel_loop3A_287 = arith.constant 48 : index
        %parallel_loop3A_288 = tpu.vector_load %arg6[%parallel_loop3A_285, %parallel_loop3A_286, %parallel_loop3A_287] {strides = array<i32>} : memref<4x400x64xf32, #tpu.memory_space<vmem>>, vector<1x1x16xf32>,
        %parallel_loop3A_289 = vector.shape_cast %parallel_loop3A_288 : vector<1x1x16xf32> to vector<16xf32>
        %parallel_loop3A_290 = arith.constant 8.000000e+00 : f32
        %parallel_loop3A_291 = vector.broadcast %parallel_loop3A_290 : f32 to vector<16xf32>
        %parallel_loop3A_292 = arith.mulf %parallel_loop3A_289, %parallel_loop3A_291 : vector<16xf32>
        %parallel_loop3A_293 = arith.constant 3 : i32
        %parallel_loop3A_294 = arith.index_cast %parallel_loop3A_293 : i32 to index
        %parallel_loop3A_295 = arith.index_cast %parallel_loop3A_235 : i32 to index
        %parallel_loop3A_296 = arith.constant 48 : index
        %parallel_loop3A_297 = tpu.vector_load %arg6[%parallel_loop3A_294, %parallel_loop3A_295, %parallel_loop3A_296] {strides = array<i32>} : memref<4x400x64xf32, #tpu.memory_space<vmem>>, vector<1x1x16xf32>,
        %parallel_loop3A_298 = vector.shape_cast %parallel_loop3A_297 : vector<1x1x16xf32> to vector<16xf32>
        %parallel_loop3A_299 = vector.shape_cast %parallel_loop3A_292 : vector<16xf32> to vector<1x1x16xf32>
        tpu.vector_store %arg6[%parallel_loop3A_294, %parallel_loop3A_295, %parallel_loop3A_296], %parallel_loop3A_299 {strides = array<i32>} : memref<4x400x64xf32, #tpu.memory_space<vmem>>, vector<1x1x16xf32>,
      } {sc.loop_unroll_factor = 8 : i64, sc.parallel_access}
      %mul3A_219 = arith.constant 400 : i32
      %mul3A_220 = arith.muli %add3A_198, %mul3A_219 : i32
      %add3A_221 = arith.addi %mul3A_2, %mul3A_220 : i32
      %dma_start3A_222 = arith.constant 3 : i32
      %dma_start3A_223 = arith.constant 0 : i32
      %dma_start3A_224 = arith.constant 0 : i32
      %dma_start3A_225 = tpu.memref_slice %arg6[%dma_start3A_222, %dma_start3A_223, %dma_start3A_224] : memref<4x400x64xf32, #tpu.memory_space<vmem>> -> memref<1x400x64xf32, #tpu.memory_space<vmem>>
      %dma_start3A_226 = tpu.memref_squeeze %dma_start3A_225 : memref<1x400x64xf32, #tpu.memory_space<vmem>> -> memref<400x64xf32, #tpu.memory_space<vmem>>
      %dma_start3A_227 = arith.constant 0 : i32
      %dma_start3A_228 = tpu.memref_slice %arg4[%add3A_221, %dma_start3A_227] : memref<819200x64xf32, #tpu.memory_space<hbm>> -> memref<400x64xf32, #tpu.memory_space<hbm>>
      %dma_start3A_229 = arith.constant 0 : i32
      %dma_start3A_230 = tpu.memref_slice %arg4[%add3A_221, %dma_start3A_229] : memref<819200x64xf32, #tpu.memory_space<hbm>> -> memref<400x64xf32, #tpu.memory_space<hbm>>
      %dma_start3A_231 = arith.constant 0 : i32
      %dma_start3A_232 = arith.constant 0 : i32
      %dma_start3A_233 = tpu.memref_slice %arg6[%dma_start3A_222, %dma_start3A_231, %dma_start3A_232] : memref<4x400x64xf32, #tpu.memory_space<vmem>> -> memref<1x400x64xf32, #tpu.memory_space<vmem>>
      %dma_start3A_234 = tpu.memref_squeeze %dma_start3A_233 : memref<1x400x64xf32, #tpu.memory_space<vmem>> -> memref<400x64xf32, #tpu.memory_space<vmem>>
      tpu.enqueue_dma source(%dma_start3A_234 : memref<400x64xf32, #tpu.memory_space<vmem>>) target(%dma_start3A_230 : memref<400x64xf32, #tpu.memory_space<hbm>>) target_semaphore(%arg14 : memref<!tpu.dma_semaphore, #tpu.memory_space<semaphore_mem>>)
    }
    %scan3A_26 = arith.constant 16 : i32
    %dma_wait3A = arith.constant 0 : i32
    %dma_wait3A_27 = arith.constant 0 : i32
    %dma_wait3A_28 = arith.constant 0 : i32
    %dma_wait3A_29 = tpu.memref_slice %arg6[%dma_wait3A, %dma_wait3A_27, %dma_wait3A_28] : memref<4x400x64xf32, #tpu.memory_space<vmem>> -> memref<1x400x64xf32, #tpu.memory_space<vmem>>
    %dma_wait3A_30 = tpu.memref_squeeze %dma_wait3A_29 : memref<1x400x64xf32, #tpu.memory_space<vmem>> -> memref<400x64xf32, #tpu.memory_space<vmem>>
    %dma_wait3A_31 = arith.constant 0 : i32
    %dma_wait3A_32 = tpu.memref_slice %arg4[%mul3A_2, %dma_wait3A_31] : memref<819200x64xf32, #tpu.memory_space<hbm>> -> memref<400x64xf32, #tpu.memory_space<hbm>>
    %dma_wait3A_33 = arith.constant 0 : i32
    %dma_wait3A_34 = tpu.memref_slice %arg4[%mul3A_2, %dma_wait3A_33] : memref<819200x64xf32, #tpu.memory_space<hbm>> -> memref<400x64xf32, #tpu.memory_space<hbm>>
    %dma_wait3A_35 = arith.constant 0 : i32
    %dma_wait3A_36 = arith.constant 0 : i32
    %dma_wait3A_37 = tpu.memref_slice %arg6[%dma_wait3A, %dma_wait3A_35, %dma_wait3A_36] : memref<4x400x64xf32, #tpu.memory_space<vmem>> -> memref<1x400x64xf32, #tpu.memory_space<vmem>>
    %dma_wait3A_38 = tpu.memref_squeeze %dma_wait3A_37 : memref<1x400x64xf32, #tpu.memory_space<vmem>> -> memref<400x64xf32, #tpu.memory_space<vmem>>
    tpu.wait_dma2 semaphore(%arg11 : memref<!tpu.dma_semaphore, #tpu.memory_space<semaphore_mem>>) src(%dma_wait3A_38 : memref<400x64xf32, #tpu.memory_space<vmem>>) dst(%dma_wait3A_34 : memref<400x64xf32, #tpu.memory_space<hbm>>)
    %dma_wait3A_39 = arith.constant 1 : i32
    %dma_wait3A_40 = arith.constant 0 : i32
    %dma_wait3A_41 = arith.constant 0 : i32
    %dma_wait3A_42 = tpu.memref_slice %arg6[%dma_wait3A_39, %dma_wait3A_40, %dma_wait3A_41] : memref<4x400x64xf32, #tpu.memory_space<vmem>> -> memref<1x400x64xf32, #tpu.memory_space<vmem>>
    %dma_wait3A_43 = tpu.memref_squeeze %dma_wait3A_42 : memref<1x400x64xf32, #tpu.memory_space<vmem>> -> memref<400x64xf32, #tpu.memory_space<vmem>>
    %dma_wait3A_44 = arith.constant 0 : i32
    %dma_wait3A_45 = tpu.memref_slice %arg4[%mul3A_2, %dma_wait3A_44] : memref<819200x64xf32, #tpu.memory_space<hbm>> -> memref<400x64xf32, #tpu.memory_space<hbm>>
    %dma_wait3A_46 = arith.constant 0 : i32
    %dma_wait3A_47 = tpu.memref_slice %arg4[%mul3A_2, %dma_wait3A_46] : memref<819200x64xf32, #tpu.memory_space<hbm>> -> memref<400x64xf32, #tpu.memory_space<hbm>>
    %dma_wait3A_48 = arith.constant 0 : i32
    %dma_wait3A_49 = arith.constant 0 : i32
    %dma_wait3A_50 = tpu.memref_slice %arg6[%dma_wait3A_39, %dma_wait3A_48, %dma_wait3A_49] : memref<4x400x64xf32, #tpu.memory_space<vmem>> -> memref<1x400x64xf32, #tpu.memory_space<vmem>>
    %dma_wait3A_51 = tpu.memref_squeeze %dma_wait3A_50 : memref<1x400x64xf32, #tpu.memory_space<vmem>> -> memref<400x64xf32, #tpu.memory_space<vmem>>
    tpu.wait_dma2 semaphore(%arg12 : memref<!tpu.dma_semaphore, #tpu.memory_space<semaphore_mem>>) src(%dma_wait3A_51 : memref<400x64xf32, #tpu.memory_space<vmem>>) dst(%dma_wait3A_47 : memref<400x64xf32, #tpu.memory_space<hbm>>)
    %dma_wait3A_52 = arith.constant 2 : i32
    %dma_wait3A_53 = arith.constant 0 : i32
    %dma_wait3A_54 = arith.constant 0 : i32
    %dma_wait3A_55 = tpu.memref_slice %arg6[%dma_wait3A_52, %dma_wait3A_53, %dma_wait3A_54] : memref<4x400x64xf32, #tpu.memory_space<vmem>> -> memref<1x400x64xf32, #tpu.memory_space<vmem>>
    %dma_wait3A_56 = tpu.memref_squeeze %dma_wait3A_55 : memref<1x400x64xf32, #tpu.memory_space<vmem>> -> memref<400x64xf32, #tpu.memory_space<vmem>>
    %dma_wait3A_57 = arith.constant 0 : i32
    %dma_wait3A_58 = tpu.memref_slice %arg4[%mul3A_2, %dma_wait3A_57] : memref<819200x64xf32, #tpu.memory_space<hbm>> -> memref<400x64xf32, #tpu.memory_space<hbm>>
    %dma_wait3A_59 = arith.constant 0 : i32
    %dma_wait3A_60 = tpu.memref_slice %arg4[%mul3A_2, %dma_wait3A_59] : memref<819200x64xf32, #tpu.memory_space<hbm>> -> memref<400x64xf32, #tpu.memory_space<hbm>>
    %dma_wait3A_61 = arith.constant 0 : i32
    %dma_wait3A_62 = arith.constant 0 : i32
    %dma_wait3A_63 = tpu.memref_slice %arg6[%dma_wait3A_52, %dma_wait3A_61, %dma_wait3A_62] : memref<4x400x64xf32, #tpu.memory_space<vmem>> -> memref<1x400x64xf32, #tpu.memory_space<vmem>>
    %dma_wait3A_64 = tpu.memref_squeeze %dma_wait3A_63 : memref<1x400x64xf32, #tpu.memory_space<vmem>> -> memref<400x64xf32, #tpu.memory_space<vmem>>
    tpu.wait_dma2 semaphore(%arg13 : memref<!tpu.dma_semaphore, #tpu.memory_space<semaphore_mem>>) src(%dma_wait3A_64 : memref<400x64xf32, #tpu.memory_space<vmem>>) dst(%dma_wait3A_60 : memref<400x64xf32, #tpu.memory_space<hbm>>)
    %dma_wait3A_65 = arith.constant 3 : i32
    %dma_wait3A_66 = arith.constant 0 : i32
    %dma_wait3A_67 = arith.constant 0 : i32
    %dma_wait3A_68 = tpu.memref_slice %arg6[%dma_wait3A_65, %dma_wait3A_66, %dma_wait3A_67] : memref<4x400x64xf32, #tpu.memory_space<vmem>> -> memref<1x400x64xf32, #tpu.memory_space<vmem>>
    %dma_wait3A_69 = tpu.memref_squeeze %dma_wait3A_68 : memref<1x400x64xf32, #tpu.memory_space<vmem>> -> memref<400x64xf32, #tpu.memory_space<vmem>>
    %dma_wait3A_70 = arith.constant 0 : i32
    %dma_wait3A_71 = tpu.memref_slice %arg4[%mul3A_2, %dma_wait3A_70] : memref<819200x64xf32, #tpu.memory_space<hbm>> -> memref<400x64xf32, #tpu.memory_space<hbm>>
    %dma_wait3A_72 = arith.constant 0 : i32
    %dma_wait3A_73 = tpu.memref_slice %arg4[%mul3A_2, %dma_wait3A_72] : memref<819200x64xf32, #tpu.memory_space<hbm>> -> memref<400x64xf32, #tpu.memory_space<hbm>>
    %dma_wait3A_74 = arith.constant 0 : i32
    %dma_wait3A_75 = arith.constant 0 : i32
    %dma_wait3A_76 = tpu.memref_slice %arg6[%dma_wait3A_65, %dma_wait3A_74, %dma_wait3A_75] : memref<4x400x64xf32, #tpu.memory_space<vmem>> -> memref<1x400x64xf32, #tpu.memory_space<vmem>>
    %dma_wait3A_77 = tpu.memref_squeeze %dma_wait3A_76 : memref<1x400x64xf32, #tpu.memory_space<vmem>> -> memref<400x64xf32, #tpu.memory_space<vmem>>
    tpu.wait_dma2 semaphore(%arg14 : memref<!tpu.dma_semaphore, #tpu.memory_space<semaphore_mem>>) src(%dma_wait3A_77 : memref<400x64xf32, #tpu.memory_space<vmem>>) dst(%dma_wait3A_73 : memref<400x64xf32, #tpu.memory_space<hbm>>)
    return
  }
}

</mosaic_0001>

<sc_bundles>
// kernel: _launch.3.cloned.1.call-start
scs
__scs_entry_jumppad:
0x0: {  	(pc) =	sbr.rel $0x88, $3  }
0x1: {  	(tag) =	ssettag $0x0;
	lr =	simm.s32 $0x1  }
0x2: {  	[smem:$0x3F9F] =	sst lr;
	_ =	strace $0xD0000000  }
0x3: {  	_ = 	snop  }
0x4: {  	_ = 	snop  }
0x5: {  	_ = 	snop  }
0x6: {  	_ = 	snop  }
0x7: {  	_ = 	snop  }
__scs_overlays_trampoline_lowered:
0x8: {  	[smem:$0x3FAE] =	sst s0  }
0x9: {  	[smem:$0x3FAF] =	sst s1  }
0xa: {  	[smem:$0x3FB0] =	sst s2  }
0xb: {  	[smem:$0x3FB1] =	sst s3  }
0xc: {  	[smem:$0x3FB2] =	sst s4  }
0xd: {  	[smem:$0x3FB3] =	sst s5  }
0xe: {  	[smem:$0x3FB4] =	sst s6  }
0xf: {  	[smem:$0x3FB5] =	sst s7  }
0x10: {  	[smem:$0x3FB6] =	sst s8  }
0x11: {  	[smem:$0x3FB7] =	sst s9;
	s0 =	simm.s32 @!p0 $0x0  }
0x12: {  	s1 =	sld [smem:$0x3F9D];
	s0 =	simm.s32 @p0 $0x1  }
0x13: {  	[smem:$0x3FB8] =	sst s0;
	s0 =	simm.s32 @!p1 $0x0  }
0x14: {  	s2 =	sld [smem:$0x3F9C];
	s0 =	simm.s32 @p1 $0x1  }
0x15: {  	[smem:$0x3FB9] =	sst s0;
	s0 =	simm.s32 @!p2 $0x0  }
0x16: {  	s3 =	sld [smem:$0x3FDB];
	s0 =	simm.s32 @p2 $0x1  }
0x17: {  	s4 =	simm.s32 $0x1BF5;
	[smem:$0x3FBB] =	sst s0  }
0x18: {  	s0 =	sld [smem:$0x3F9E];
	_ =	swait.ge [sflag:s4], $0x0  }
0x19: {  	s7 =	sld [smem:$0x3F9F]  }
0x1a: {  	s8 =	sadd.s32 $0xFFFFE003, lr  }
0x1b: {  	s9 =	sadd.s32 $0xFFFFFEF7, lr;
	s5 =	simm.s32 $0xFFFFFFFF;
	p2 =	slt.u32 s8, $0xFFFFF086  }
0x1c: {  	p1 =	slt.u32 s9, $0xF7A;
	s5 =	simm.s32 @!p2 $0x0  }
0x1d: {  	s5 =	simm.s32 @p1 $0x1;
	p0 =	seq.s32 s7, s2  }
0x1e: {  	s7 =	smul.u32 @!p0 $0xF7A, s2;
	p2 =	seq.s32 @!p0 s5, $0x0  }
0x1f: {  	s9 =	smul.u32 $0xF7A, s1;
	s8 =	simm.s32 @!p0 $0x1BF5;
	p2 =	por !p2, p0  }
0x20: {  	[sflag:s8] =	ssyncset.s32 @!p0 $0xFFFFF086;
	s6 =	sadd.s32 @!p0 s3, s7;
	s7 =	simm.s32 @!p0 $0x108  }
0x21: {  	s3 =	sadd.s32 s3, s9;
	s6 =	sadd.s32 @!p0 $0x88, s6;
	s7 =	simm.s32 @p2 $0x1082  }
0x22: {  	[simem:s7], [sflag:s8] =	dma.local @!p0 [hbm:s6], $0xF7A  }
0x23: {  	s9 =	sor.u32 $0xD0000000, s2;
	s6 =	simm.s32 $0x108;
	_ =	swait.ge @!p0 [sflag:s8], $0x0  }
0x24: {  	s3 =	sadd.s32 $0x88, s3;
	s6 =	simm.s32 @!p1 $0x1082;
	[sflag:s4] =	ssyncset.s32 $0xFFFFF086  }
0x25: {  	[simem:s6], [sflag:s4] =	dma.local [hbm:s3], $0xF7A  }
0x26: {  	[smem:$0x3F9F] =	sst s1;
	(tag) =	ssettag s2;
	_ =	strace s9  }
0x27: {  	s1 =	sld [smem:$0x3FAF]  }
0x28: {  	s2 =	sld [smem:$0x3FB0]  }
0x29: {  	s4 =	sld [smem:$0x3FB2]  }
0x2a: {  	p0 =	seq.s32 s5, $0x0;
	s5 =	sld [smem:$0x3FB3]  }
0x2b: {  	s6 =	sld [smem:$0x3FB4]  }
0x2c: {  	s7 =	sld [smem:$0x3FB5]  }
0x2d: {  	s3 =	simm.s32 $0x108;
	s8 =	sld [smem:$0x3FB6]  }
0x2e: {  	s3 =	simm.s32 @!p0 $0x1082;
	s9 =	sld [smem:$0x3FB7]  }
0x2f: {  	lr =	sadd.s32 s0, s3;
	s0 =	sld [smem:$0x3FAE]  }
0x30: {  	s3 =	sld [smem:$0x3FB1]  }
0x31: {  	[smem:$0x3FBA] =	sst s10  }
0x32: {  	s10 =	sld [smem:$0x3FB8];
	_ =	sdelay $0x3  }
0x33: {  	p0 =	seq.s32 s10, $0x1;
	s10 =	sld [smem:$0x3FBA];
	_ =	sdelay $0x3  }
0x34: {  	[smem:$0x3FBA] =	sst s10  }
0x35: {  	s10 =	sld [smem:$0x3FB9];
	_ =	sdelay $0x3  }
0x36: {  	p1 =	seq.s32 s10, $0x1;
	s10 =	sld [smem:$0x3FBA];
	_ =	sdelay $0x3  }
0x37: {  	[smem:$0x3FBA] =	sst s10  }
0x38: {  	s10 =	sld [smem:$0x3FBB]  }
0x39: {  	_ = 	snop;
	(pc) =	sbr.ind lr, $3  }
0x3a: {  	_ = 	snop  }
0x3b: {  	_ = 	snop  }
0x3c: {  	p2 =	seq.s32 s10, $0x1;
	s10 =	sld [smem:$0x3FBA]  }
0x3d: {  	_ =	shalt  }
0x3e: {  	_ =	shalt  }
0x3f: {  	_ =	shalt  }
0x40: {  	_ =	shalt  }
0x41: {  	_ =	shalt  }
0x42: {  	_ =	shalt  }
0x43: {  	_ =	shalt  }
0x44: {  	_ =	shalt  }
0x45: {  	_ =	shalt  }
0x46: {  	_ =	shalt  }
0x47: {  	_ =	shalt  }
0x48: {  	_ =	shalt  }
0x49: {  	_ =	shalt  }
0x4a: {  	_ =	shalt  }
0x4b: {  	_ =	shalt  }
0x4c: {  	_ =	shalt  }
0x4d: {  	_ =	shalt  }
0x4e: {  	_ =	shalt  }
0x4f: {  	_ =	shalt  }
0x50: {  	_ =	shalt  }
0x51: {  	_ =	shalt  }
0x52: {  	_ =	shalt  }
0x53: {  	_ =	shalt  }
0x54: {  	_ =	shalt  }
0x55: {  	_ =	shalt  }
0x56: {  	_ =	shalt  }
0x57: {  	_ =	shalt  }
0x58: {  	_ =	shalt  }
0x59: {  	_ =	shalt  }
0x5a: {  	_ =	shalt  }
0x5b: {  	_ =	shalt  }
0x5c: {  	_ =	shalt  }
0x5d: {  	_ =	shalt  }
0x5e: {  	_ =	shalt  }
0x5f: {  	_ =	shalt  }
0x60: {  	_ =	shalt  }
0x61: {  	_ =	shalt  }
0x62: {  	_ =	shalt  }
0x63: {  	_ =	shalt  }
0x64: {  	_ =	shalt  }
0x65: {  	_ =	shalt  }
0x66: {  	_ =	shalt  }
0x67: {  	_ =	shalt  }
0x68: {  	_ =	shalt  }
0x69: {  	_ =	shalt  }
0x6a: {  	_ =	shalt  }
0x6b: {  	_ =	shalt  }
0x6c: {  	_ =	shalt  }
0x6d: {  	_ =	shalt  }
0x6e: {  	_ =	shalt  }
0x6f: {  	_ =	shalt  }
0x70: {  	_ =	shalt  }
0x71: {  	_ =	shalt  }
0x72: {  	_ =	shalt  }
0x73: {  	_ =	shalt  }
0x74: {  	_ =	shalt  }
0x75: {  	_ =	shalt  }
0x76: {  	_ =	shalt  }
0x77: {  	_ =	shalt  }
0x78: {  	_ =	shalt  }
0x79: {  	_ =	shalt  }
0x7a: {  	_ =	shalt  }
0x7b: {  	_ =	shalt  }
0x7c: {  	_ =	shalt  }
0x7d: {  	_ =	shalt  }
0x7e: {  	_ =	shalt  }
0x7f: {  	_ =	shalt  }
0x80: {  	_ =	shalt  }
0x81: {  	_ =	shalt  }
0x82: {  	_ =	shalt  }
0x83: {  	_ =	shalt  }
0x84: {  	_ =	shalt  }
0x85: {  	_ =	shalt  }
0x86: {  	_ =	shalt  }
0x87: {  	_ =	shalt  }
.Lfunc_end0:
.L_simem_size_0:
called_computation.1_lowered:
.L_overlay_start_0:
0x88: {  	s2 =	sld [smem:$0x3FD9]  }
0x89: {  	s3 =	sld [smem:$0x3FFE];
	_ =	sdelay $0x1  }
0x8a: {  	s1 =	srdreg.scid  }
0x8b: {  	s0 =	sand.u32 $0x1, s1  }
0x8c: {  	s17 =	sshll.u32 s0, $0xA;
	s2 =	sadd.s32 s3, s2  }
0x8d: {  	s2 =	sadd.s32 s2, s17  }
0x8e: {  	[smem:$0x3FC6] =	sst s2  }
0x8f: {  	_ = 	snop  }
0x90: {  	s2 =	sld [smem:$0x3FC9]  }
0x91: {  	s18 =	sld [smem:$0x3FD0];
	(tm) =	ssettm $0x1  }
0x92: {  	s4 =	sld [smem:$0x3FFB];
	_ =	sdelay $0x3  }
0x93: {  	_ =	strace s4  }
0x94: {  	s4 =	sld [smem:$0x3FFC];
	_ =	sdelay $0x3  }
0x95: {  	_ =	strace s4  }
0x96: {  	s4 =	sld [smem:$0x3FFD];
	_ =	sdelay $0x3  }
0x97: {  	_ =	strace s4  }
0x98: {  	_ =	strace $0x8FFFFFFF  }
0x99: {  	s19 =	sld [smem:$0x3FDB];
	_ =	sdelay $0x1  }
0x9a: {  	s5 =	simm.s32 $_scs_section_size  }
0x9b: {  	s6 =	simm.s32 $_size__tile_overlayer_lowered;
	s7 =	simm.s32 $_tile_overlayer_lowered  }
0x9c: {  	s22 =	simm.s32 $0x1BFF;
	s21 =	sshll.u32 s7, $0x1;
	s4 =	sadd.s32 s5, s19  }
0x9d: {  	s8 =	simm.s32 $0x0;
	s20 =	sshll.u32 s6, $0x1;
	s6 =	sadd.s32 s21, s4  }
0x9e: {  	[timem:s8], [sflag:s22] =	dma.local [hbm:s6], s20  }
0x9f: {  	_ =	swait.ge [sflag:s22], s20  }
0xa0: {  	s5 =	ssub.s32 $0x0, s20;
	[sflag:s22] =	ssyncset.done $0x0  }
0xa1: {  	[sflag:s22] =	ssyncadd.s32 s5;
	_ =	sdelay $0x1  }
0xa2: {  	s23 =	simm.s32 $0x1B8B  }
0xa3: {  	_ =	swait.ge [sflag:s23], $0x1  }
0xa4: {  	[sflag:s23] =	ssyncset.done $0x0  }
0xa5: {  	s25 =	simm.s32 $0x1B8E;
	s24 =	sld [smem:$0x3FFE];
	[sflag:s23] =	ssyncadd.s32 $0xFFFFFFFF  }
0xa6: {  	s26 =	simm.s32 $execute0_lowered;
	[smem:$0x3FD2] =	sst s25  }
0xa7: {  	s6 =	sshll.u32 s26, $0x1;
	_ =	strace $0x80000046;
	[dreg:$0x1] =	wrdreg $0xFFFFFFFF  }
0xa8: {  	s28 =	simm.s32 $_size_execute0_lowered;
	s4 =	sadd.s32 s4, s6;
	[dreg:$0x0] =	wrdreg $0x0  }
0xa9: {  	s6 =	sshll.u32 s28, $0x1;
	[dreg:$0x2] =	wrdreg s4  }
0xaa: {  	[dreg:$0x3] =	wrdreg s6  }
0xab: {  	[dreg:$0x4] =	wrdreg $0xC0  }
0xac: {  	_ =	task [dreg:s8], $0x5FFFF  }
0xad: {  	[dreg:$0x1] =	wrdreg $0xFFFFFFFF  }
0xae: {  	[dreg:$0x0] =	wrdreg $0x60  }
0xaf: {  	[dreg:$0x2] =	wrdreg s24  }
0xb0: {  	[dreg:$0x3] =	wrdreg s2  }
0xb1: {  	[dreg:$0x4] =	wrdreg s18  }
0xb2: {  	[dreg:$0x5] =	wrdreg $0x9  }
0xb3: {  	_ =	task.clear_ibuf [dreg:s8], $0x6FFFF;
	_ =	strace $0x90000046  }
0xb4: {  	s29 =	simm.s32 $0x9;
	_ =	strace $0x80000048  }
0xb5: {  	_ =	swait.ge [sflag:s29], $0x1  }
0xb6: {  	[sflag:s29] =	ssyncadd.s32 $0xFFFFFFFF  }
0xb7: {  	_ =	strace $0x90000048  }
0xb8: {  	_ =	sfence  }
0xb9: {  	s30 =	sld [smem:$0x0];
	_ =	sdelay $0x2  }
0xba: {  	s31 =	sshll.u32 s1, $0xD;
	s1 =	sshrl.u32 s1, $0x2  }
0xbb: {  	s3 =	sand.u32 $0x4000, s31;
	s1 =	sadd.s32 s1, s30  }
0xbc: {  	s0 =	sor.u32 s3, s0;
	s1 =	sshll.u32 s1, $0x11  }
0xbd: {  	s0 =	sor.u32 s1, s0  }
0xbe: {  	s0 =	sadd.s32 $0x8F2B, s0  }
0xbf: {  	[sflag:s0] =	ssyncadd.remote.s32 $0x1  }
0xc0: {  	_ =	sfence.sel $0xFFFF  }
0xc1: {  	[dreg:$0x0] =	wrdreg $0xFFFFFFFF;
	(pc) =	sbr.abs _section_cstart, $3  }
0xc2: {  	[dreg:$0x1] =	wrdreg $0xFFFFFFFF  }
0xc3: {  	_ =	task.clear_ibuf [dreg:s8], $0x2FFFF;
	_ =	strace $0x9FFFFFFF  }
0xc4: {  	(tm) =	ssettm $0x7FFFFFFF  }
0xc5: {  	_ =	shalt  }
tec
execute0_lowered:
.L_overlay_start_1:
0x0: {  	(tag) =	ssettag $0x1  }
0x1: {  	s5 =	rddreg [dreg:$0x0]  }
0x2: {  	s6 =	rddreg [dreg:$0x1];
	s1 =	srdreg.scid  }
0x3: {  	s0 =	stileid.u32;
	s2 =	rddreg [dreg:$0x2];
	s3 =	simm.s32 $0x0  }
0x4: {  	s9 =	simm.s32 $0x9;
	s10 =	simm.s32 $0x190;
	s11 =	simm.s32 $0x6400  }
0x5: {  	s12 =	simm.s32 $0xC800;
	s13 =	simm.s32 $0x12C00;
	s14 =	simm.s32 $0x1  }
0x6: {  	s15 =	simm.s32 $0x19000;
	s16 =	simm.s32 $0x2;
	s17 =	simm.s32 $0x3  }
0x7: {  	s18 =	simm.s32 $0x4;
	s19 =	simm.s32 $0x5;
	s20 =	simm.s32 $0x6  }
0x8: {  	s21 =	simm.s32 $0x7;
	s4 =	sand.u32 $0x1, s1;
	s7 =	sshll.u32 s0, $0x1  }
0x9: {  	s22 =	simm.s32 $0x8;
	s23 =	simm.s32 $0x0;
	s7 =	sor.u32 s4, s7  }
0xa: {  	s1 =	rddreg [dreg:$0x3];
	s8 =	ssub.s32 $0x2, s4;
	s4 =	smul.u32 $0x6400, s7  }
0xb: {  	[smem:$0x7FF] =	sst s3;
	s5 =	sadd.s32 $0xF42C00, s5;
	s30 =	sshrl.u32 s8, $0x1  }
0xc: {  	_ =	strace $0x80000047;
	s8 =	ssub.s32 s8, s30;
	s31 =	sshrl.u32 s4, $0x3  }
0xd: {  	s7 =	sor.u32 $0x190, s4;
	s8 =	smax.u32 s8, $0x1;
	s6 =	sadd.s32 s6, s31  }
.LBB2_1:
0xe: {  	[tilespmem:s3], [sflag:$0x9] =	stream.linear.gather [hbm4b:s6+s3], $0x6400, $0x38;
	[tilespmem:$0x1F400] =	vst v63  }
0xf: {  	_ =	swait.ge [sflag:s9], $0x6400  }
0x10: {  	[sflag:s9] =	ssyncset.done $0x0  }
0x11: {  	[sflag:s9] =	ssyncadd.s32 $0xFFFF9C00  }
0x12: {  	[tilespmem:s11], [sflag:$0x1] =	stream.indirect.gather [hbm4b:s5+s10], $0x40, s3, s10, $0xb8;
	[tilespmem:$0x1F400] =	vst v63  }
0x13: {  	s24 =	simm.s32 $0x0  }
0x14: {  	[tilespmem:s12], [sflag:$0x2] =	stream.indirect.gather [hbm4b:s5+s10], $0x40, s10, s10, $0xb8;
	[tilespmem:$0x1F400] =	vst v63  }
.LBB2_2:
0x15: {  	s25 =	sshll.u32 s24, $0x2;
	p0 =	seq.s32 s24, $0x0  }
0x16: {  	s26 =	sor.u32 $0x2, s25;
	s28 =	simm.s32 @!p0 $0x7  }
0x17: {  	_ =	swait.ge @!p0 [sflag:s28], $0x6400;
	s29 =	smul.u32 $0x640, s26  }
0x18: {  	[sflag:s28] =	ssyncset.done @!p0 $0x0  }
0x19: {  	[sflag:s28] =	ssyncadd.s32 @!p0 $0xFFFF9C00;
	s28 =	sshra.s32 s29, $0x2  }
0x1a: {  	[tilespmem:s13], [sflag:$0x3] =	stream.indirect.gather [hbm4b:s5+s10], $0x40, s28, s10, $0xb8;
	[tilespmem:$0x1F400] =	vst v63  }
0x1b: {  	_ =	swait.ge [sflag:s14], $0x6400  }
0x1c: {  	[sflag:s14] =	ssyncset.done $0x0  }
0x1d: {  	s29 =	simm.s32 $0x6500;
	[sflag:s14] =	ssyncadd.s32 $0xFFFF9C00  }
0x1e: {  	v0 =	vld [tilespmem:s29+$0xF0]  }
0x1f: {  	v1 =	vld [tilespmem:s29+$0xFFFFFF10]  }
0x20: {  	v2 =	vld [tilespmem:s29+$0xFFFFFF20]  }
0x21: {  	v3 =	vld [tilespmem:s29+$0xFFFFFF30]  }
0x22: {  	v4 =	vld [tilespmem:s29+$0xFFFFFF40]  }
0x23: {  	v5 =	vld [tilespmem:s29+$0xFFFFFF50];
	v0 =	vmul.f32 $8.000000000e+00, v0  }
0x24: {  	v6 =	vld [tilespmem:s29+$0xFFFFFF60];
	v1 =	vmul.f32 $8.000000000e+00, v1  }
0x25: {  	v7 =	vld [tilespmem:s29+$0xFFFFFF70];
	v2 =	vmul.f32 $8.000000000e+00, v2;
	[tilespmem:s29+$0xF0] =	vst v0  }
0x26: {  	[tilespmem:s29+$0xFFFFFF10] =	vst v1;
	v0 =	vmul.f32 $8.000000000e+00, v3;
	v1 =	vld [tilespmem:s29+$0xFFFFFF80]  }
0x27: {  	[tilespmem:s29+$0xFFFFFF20] =	vst v2;
	v2 =	vmul.f32 $8.000000000e+00, v4;
	v3 =	vld [tilespmem:s29+$0xFFFFFF90]  }
0x28: {  	v4 =	vld [tilespmem:s29+$0xFFFFFFA0];
	[tilespmem:s29+$0xFFFFFF30] =	vst v0;
	v0 =	vmul.f32 $8.000000000e+00, v5  }
0x29: {  	[tilespmem:s29+$0xFFFFFF40] =	vst v2;
	v2 =	vmul.f32 $8.000000000e+00, v6;
	v5 =	vld [tilespmem:s29+$0xFFFFFFB0]  }
0x2a: {  	v6 =	vld [tilespmem:s29+$0xFFFFFFC0];
	[tilespmem:s29+$0xFFFFFF50] =	vst v0;
	v0 =	vmul.f32 $8.000000000e+00, v7  }
0x2b: {  	[tilespmem:s29+$0xFFFFFF60] =	vst v2;
	v2 =	vld [tilespmem:s29+$0xFFFFFFD0];
	v1 =	vmul.f32 $8.000000000e+00, v1  }
0x2c: {  	[tilespmem:s29+$0xFFFFFF70] =	vst v0;
	v0 =	vmul.f32 $8.000000000e+00, v3;
	v3 =	vld [tilespmem:s29+$0xFFFFFFE0]  }
0x2d: {  	[tilespmem:s29+$0xFFFFFF80] =	vst v1;
	v1 =	vmul.f32 $8.000000000e+00, v4;
	v4 =	vld [tilespmem:s29+$0xFFFFFFF0]  }
0x2e: {  	[tilespmem:s29+$0xFFFFFF90] =	vst v0;
	v0 =	vmul.f32 $8.000000000e+00, v5;
	v5 =	vld [tilespmem:s29+$0x0]  }
0x2f: {  	[tilespmem:s29+$0xFFFFFFA0] =	vst v1;
	v1 =	vmul.f32 $8.000000000e+00, v6;
	v6 =	vld [tilespmem:s29+$0x10]  }
0x30: {  	[tilespmem:s29+$0xFFFFFFB0] =	vst v0;
	v0 =	vmul.f32 $8.000000000e+00, v2;
	v2 =	vld [tilespmem:s29+$0x20]  }
0x31: {  	[tilespmem:s29+$0xFFFFFFC0] =	vst v1;
	v1 =	vmul.f32 $8.000000000e+00, v3;
	v3 =	vld [tilespmem:s29+$0x30]  }
0x32: {  	[tilespmem:s29+$0xFFFFFFD0] =	vst v0;
	v0 =	vmul.f32 $8.000000000e+00, v4;
	v4 =	vld [tilespmem:s29+$0x40]  }
0x33: {  	[tilespmem:s29+$0xFFFFFFE0] =	vst v1;
	v1 =	vmul.f32 $8.000000000e+00, v5;
	v5 =	vld [tilespmem:s29+$0x50]  }
0x34: {  	[tilespmem:s29+$0xFFFFFFF0] =	vst v0;
	v0 =	vmul.f32 $8.000000000e+00, v6;
	v6 =	vld [tilespmem:s29+$0x60]  }
0x35: {  	[tilespmem:s29+$0x0] =	vst v1;
	v1 =	vmul.f32 $8.000000000e+00, v2;
	v2 =	vld [tilespmem:s29+$0x70]  }
0x36: {  	[tilespmem:s29+$0x10] =	vst v0;
	v0 =	vmul.f32 $8.000000000e+00, v3;
	v3 =	vld [tilespmem:s29+$0x80]  }
0x37: {  	[tilespmem:s29+$0x20] =	vst v1;
	v1 =	vmul.f32 $8.000000000e+00, v4;
	v4 =	vld [tilespmem:s29+$0x90]  }
0x38: {  	v7 =	vld [tilespmem:s29+$0xA0];
	[tilespmem:s29+$0x30] =	vst v0;
	v5 =	vmul.f32 $8.000000000e+00, v5  }
0x39: {  	v0 =	vld [tilespmem:s29+$0xB0];
	[tilespmem:s29+$0x40] =	vst v1;
	v6 =	vmul.f32 $8.000000000e+00, v6  }
0x3a: {  	v1 =	vld [tilespmem:s29+$0xC0];
	[tilespmem:s29+$0x50] =	vst v5;
	v2 =	vmul.f32 $8.000000000e+00, v2  }
0x3b: {  	[tilespmem:s29+$0x60] =	vst v6;
	v6 =	vmul.f32 $8.000000000e+00, v3;
	v3 =	vld [tilespmem:s29+$0xD0]  }
0x3c: {  	[tilespmem:s29+$0x70] =	vst v2;
	v2 =	vld [tilespmem:s29+$0xE0];
	v5 =	vmul.f32 $8.000000000e+00, v4  }
0x3d: {  	s30 =	simm.s32 $0x6700;
	s28 =	simm.s32 $0x0;
	v4 =	vld [tilespmem:s29+$0xFFFFFF00];
	[tilespmem:s29+$0x80] =	vst v6;
	v6 =	vmul.f32 $8.000000000e+00, v7  }
.LBB2_3:
0x3e: {  	v7 =	vld [tilespmem:s30+$0xF0];
	s28 =	sadd.s32 $0x8, s28;
	[tilespmem:s29+$0x90] =	vst v5;
	v0 =	vmul.f32 $8.000000000e+00, v0  }
0x3f: {  	v5 =	vld [tilespmem:s30+$0xFFFFFF10];
	p1 =	slt.u32 s28, $0x188;
	[tilespmem:s29+$0xA0] =	vst v6;
	v1 =	vmul.f32 $8.000000000e+00, v1  }
0x40: {  	v6 =	vld [tilespmem:s30+$0xFFFFFF20];
	[tilespmem:s29+$0xB0] =	vst v0;
	v0 =	vmul.f32 $8.000000000e+00, v3  }
0x41: {  	v3 =	vld [tilespmem:s30+$0xFFFFFF30];
	[tilespmem:s29+$0xC0] =	vst v1;
	v1 =	vmul.f32 $8.000000000e+00, v2  }
0x42: {  	v2 =	vld [tilespmem:s30+$0xFFFFFF40];
	v4 =	vmul.f32 $8.000000000e+00, v4;
	[tilespmem:s29+$0xD0] =	vst v0  }
0x43: {  	v0 =	vld [tilespmem:s30+$0xFFFFFF50];
	v7 =	vmul.f32 $8.000000000e+00, v7;
	[tilespmem:s29+$0xE0] =	vst v1  }
0x44: {  	v1 =	vmul.f32 $8.000000000e+00, v5;
	v5 =	vld [tilespmem:s30+$0xFFFFFF60];
	[tilespmem:s29+$0xFFFFFF00] =	vst v4;
	s29 =	smov.u32 s30  }
0x45: {  	v4 =	vmul.f32 $8.000000000e+00, v6;
	v6 =	vld [tilespmem:s30+$0xFFFFFF70];
	[tilespmem:s30+$0xF0] =	vst v7  }
0x46: {  	[tilespmem:s30+$0xFFFFFF10] =	vst v1;
	v1 =	vmul.f32 $8.000000000e+00, v3;
	v3 =	vld [tilespmem:s30+$0xFFFFFF80]  }
0x47: {  	[tilespmem:s30+$0xFFFFFF20] =	vst v4;
	v2 =	vmul.f32 $8.000000000e+00, v2;
	v4 =	vld [tilespmem:s30+$0xFFFFFF90]  }
0x48: {  	[tilespmem:s30+$0xFFFFFF30] =	vst v1;
	v0 =	vmul.f32 $8.000000000e+00, v0;
	v1 =	vld [tilespmem:s30+$0xFFFFFFA0]  }
0x49: {  	[tilespmem:s30+$0xFFFFFF40] =	vst v2;
	v2 =	vmul.f32 $8.000000000e+00, v5;
	v5 =	vld [tilespmem:s30+$0xFFFFFFB0]  }
0x4a: {  	[tilespmem:s30+$0xFFFFFF50] =	vst v0;
	v0 =	vmul.f32 $8.000000000e+00, v6;
	v6 =	vld [tilespmem:s30+$0xFFFFFFC0]  }
0x4b: {  	[tilespmem:s30+$0xFFFFFF60] =	vst v2;
	v2 =	vmul.f32 $8.000000000e+00, v3;
	v3 =	vld [tilespmem:s30+$0xFFFFFFD0]  }
0x4c: {  	[tilespmem:s30+$0xFFFFFF70] =	vst v0;
	v0 =	vmul.f32 $8.000000000e+00, v4;
	v4 =	vld [tilespmem:s30+$0xFFFFFFE0]  }
0x4d: {  	[tilespmem:s30+$0xFFFFFF80] =	vst v2;
	v1 =	vmul.f32 $8.000000000e+00, v1;
	v2 =	vld [tilespmem:s30+$0xFFFFFFF0]  }
0x4e: {  	[tilespmem:s30+$0xFFFFFF90] =	vst v0;
	v0 =	vmul.f32 $8.000000000e+00, v5;
	v5 =	vld [tilespmem:s30+$0x0]  }
0x4f: {  	[tilespmem:s30+$0xFFFFFFA0] =	vst v1;
	v1 =	vmul.f32 $8.000000000e+00, v6;
	v6 =	vld [tilespmem:s30+$0x10]  }
0x50: {  	[tilespmem:s30+$0xFFFFFFB0] =	vst v0;
	v0 =	vmul.f32 $8.000000000e+00, v3;
	v3 =	vld [tilespmem:s30+$0x20]  }
0x51: {  	[tilespmem:s30+$0xFFFFFFC0] =	vst v1;
	v1 =	vmul.f32 $8.000000000e+00, v4;
	v4 =	vld [tilespmem:s30+$0x30]  }
0x52: {  	[tilespmem:s30+$0xFFFFFFD0] =	vst v0;
	v0 =	vmul.f32 $8.000000000e+00, v2;
	v2 =	vld [tilespmem:s30+$0x40]  }
0x53: {  	[tilespmem:s30+$0xFFFFFFE0] =	vst v1;
	v1 =	vmul.f32 $8.000000000e+00, v5;
	v5 =	vld [tilespmem:s30+$0x50]  }
0x54: {  	[tilespmem:s30+$0xFFFFFFF0] =	vst v0;
	v0 =	vmul.f32 $8.000000000e+00, v6;
	v6 =	vld [tilespmem:s30+$0x60]  }
0x55: {  	[tilespmem:s30+$0x0] =	vst v1;
	v1 =	vmul.f32 $8.000000000e+00, v3;
	v3 =	vld [tilespmem:s30+$0x70]  }
0x56: {  	[tilespmem:s30+$0x10] =	vst v0;
	v0 =	vmul.f32 $8.000000000e+00, v4;
	v4 =	vld [tilespmem:s30+$0x80]  }
0x57: {  	[tilespmem:s30+$0x20] =	vst v1;
	v1 =	vmul.f32 $8.000000000e+00, v2;
	v2 =	vld [tilespmem:s30+$0x90]  }
0x58: {  	[tilespmem:s30+$0x30] =	vst v0;
	v5 =	vmul.f32 $8.000000000e+00, v5;
	v7 =	vld [tilespmem:s30+$0xA0]  }
.Ltmp0:
0x59: {  	[tilespmem:s30+$0x40] =	vst v1;
	v6 =	vmul.f32 $8.000000000e+00, v6;
	v0 =	vld [tilespmem:s30+$0xB0];
	(pc) =	sbr.rel @p1 .LBB2_3-.Ltmp0, $4  }
0x5a: {  	[tilespmem:s30+$0x50] =	vst v5;
	v5 =	vmul.f32 $8.000000000e+00, v3;
	v1 =	vld [tilespmem:s30+$0xC0]  }
0x5b: {  	[tilespmem:s30+$0x60] =	vst v6;
	v6 =	vmul.f32 $8.000000000e+00, v4;
	v3 =	vld [tilespmem:s30+$0xD0]  }
0x5c: {  	[tilespmem:s30+$0x70] =	vst v5;
	v5 =	vmul.f32 $8.000000000e+00, v2;
	v2 =	vld [tilespmem:s30+$0xE0]  }
0x5d: {  	s30 =	sadd.s32 $0x200, s30;
	v4 =	vld [tilespmem:s29+$0xFFFFFF00];
	[tilespmem:s29+$0x80] =	vst v6;
	v6 =	vmul.f32 $8.000000000e+00, v7  }
0x5e: {  	[tilespmem:s29+$0x90] =	vst v5;
	v0 =	vmul.f32 $8.000000000e+00, v0  }
0x5f: {  	[tilespmem:s29+$0xA0] =	vst v6;
	v1 =	vmul.f32 $8.000000000e+00, v1  }
0x60: {  	s28 =	smul.u32 $0x640, s24;
	[tilespmem:s29+$0xB0] =	vst v0;
	v0 =	vmul.f32 $8.000000000e+00, v3  }
0x61: {  	[tilespmem:s29+$0xC0] =	vst v1;
	v1 =	vmul.f32 $8.000000000e+00, v2  }
0x62: {  	s30 =	sadd.s32 s4, s28;
	v2 =	vmul.f32 $8.000000000e+00, v4;
	[tilespmem:s29+$0xD0] =	vst v0  }
0x63: {  	s30 =	sshll.u32 s30, $0x3;
	[tilespmem:s29+$0xE0] =	vst v1  }
0x64: {  	[tilespmem:s29+$0xFFFFFF00] =	vst v2;
	s29 =	sadd.s32 s2, s30  }
0x65: {  	[hbm4b:s29+s3] =	stream.linear.scatter [tilespmem:s11], [sflag:$0x5], $0x6400, $0x38;
	[tilespmem:$0x1F400] =	vst v63  }
0x66: {  	s25 =	sor.u32 $0x3, s25;
	s29 =	simm.s32 @!p0 $0x8  }
0x67: {  	s30 =	smul.u32 $0x640, s25;
	_ =	swait.ge @!p0 [sflag:s29], $0x6400  }
0x68: {  	[sflag:s29] =	ssyncset.done @!p0 $0x0  }
0x69: {  	[sflag:s29] =	ssyncadd.s32 @!p0 $0xFFFF9C00;
	s29 =	sshra.s32 s30, $0x2  }
0x6a: {  	[tilespmem:s15], [sflag:$0x4] =	stream.indirect.gather [hbm4b:s5+s10], $0x40, s29, s10, $0xb8;
	[tilespmem:$0x1F400] =	vst v63  }
0x6b: {  	_ =	swait.ge [sflag:s16], $0x6400  }
0x6c: {  	[sflag:s16] =	ssyncset.done $0x0  }
0x6d: {  	s29 =	simm.s32 $0xC800;
	[sflag:s16] =	ssyncadd.s32 $0xFFFF9C00  }
0x6e: {  	v0 =	vld [tilespmem:s29+$0x1F0]  }
0x6f: {  	v1 =	vld [tilespmem:s29+$0x10]  }
0x70: {  	v2 =	vld [tilespmem:s29+$0x20]  }
0x71: {  	v3 =	vld [tilespmem:s29+$0x30]  }
0x72: {  	v4 =	vld [tilespmem:s29+$0x40]  }
0x73: {  	v5 =	vld [tilespmem:s29+$0x50];
	v0 =	vmul.f32 $8.000000000e+00, v0  }
0x74: {  	v6 =	vld [tilespmem:s29+$0x60];
	v1 =	vmul.f32 $8.000000000e+00, v1  }
0x75: {  	v7 =	vld [tilespmem:s29+$0x70];
	v2 =	vmul.f32 $8.000000000e+00, v2;
	[tilespmem:s29+$0x1F0] =	vst v0  }
0x76: {  	[tilespmem:s29+$0x10] =	vst v1;
	v0 =	vmul.f32 $8.000000000e+00, v3;
	v1 =	vld [tilespmem:s29+$0x80]  }
0x77: {  	[tilespmem:s29+$0x20] =	vst v2;
	v2 =	vmul.f32 $8.000000000e+00, v4;
	v3 =	vld [tilespmem:s29+$0x90]  }
0x78: {  	v4 =	vld [tilespmem:s29+$0xA0];
	[tilespmem:s29+$0x30] =	vst v0;
	v0 =	vmul.f32 $8.000000000e+00, v5  }
0x79: {  	[tilespmem:s29+$0x40] =	vst v2;
	v2 =	vmul.f32 $8.000000000e+00, v6;
	v5 =	vld [tilespmem:s29+$0xB0]  }
0x7a: {  	v6 =	vld [tilespmem:s29+$0xC0];
	[tilespmem:s29+$0x50] =	vst v0;
	v0 =	vmul.f32 $8.000000000e+00, v7  }
0x7b: {  	[tilespmem:s29+$0x60] =	vst v2;
	v2 =	vld [tilespmem:s29+$0xD0];
	v1 =	vmul.f32 $8.000000000e+00, v1  }
0x7c: {  	[tilespmem:s29+$0x70] =	vst v0;
	v0 =	vmul.f32 $8.000000000e+00, v3;
	v3 =	vld [tilespmem:s29+$0xE0]  }
0x7d: {  	[tilespmem:s29+$0x80] =	vst v1;
	v1 =	vmul.f32 $8.000000000e+00, v4;
	v4 =	vld [tilespmem:s29+$0xF0]  }
0x7e: {  	[tilespmem:s29+$0x90] =	vst v0;
	v0 =	vmul.f32 $8.000000000e+00, v5;
	v5 =	vld [tilespmem:s29+$0x100]  }
0x7f: {  	[tilespmem:s29+$0xA0] =	vst v1;
	v1 =	vmul.f32 $8.000000000e+00, v6;
	v6 =	vld [tilespmem:s29+$0x110]  }
0x80: {  	[tilespmem:s29+$0xB0] =	vst v0;
	v0 =	vmul.f32 $8.000000000e+00, v2;
	v2 =	vld [tilespmem:s29+$0x120]  }
0x81: {  	[tilespmem:s29+$0xC0] =	vst v1;
	v1 =	vmul.f32 $8.000000000e+00, v3;
	v3 =	vld [tilespmem:s29+$0x130]  }
0x82: {  	[tilespmem:s29+$0xD0] =	vst v0;
	v0 =	vmul.f32 $8.000000000e+00, v4;
	v4 =	vld [tilespmem:s29+$0x140]  }
0x83: {  	[tilespmem:s29+$0xE0] =	vst v1;
	v1 =	vmul.f32 $8.000000000e+00, v5;
	v5 =	vld [tilespmem:s29+$0x150]  }
0x84: {  	[tilespmem:s29+$0xF0] =	vst v0;
	v0 =	vmul.f32 $8.000000000e+00, v6;
	v6 =	vld [tilespmem:s29+$0x160]  }
0x85: {  	[tilespmem:s29+$0x100] =	vst v1;
	v1 =	vmul.f32 $8.000000000e+00, v2;
	v2 =	vld [tilespmem:s29+$0x170]  }
0x86: {  	[tilespmem:s29+$0x110] =	vst v0;
	v0 =	vmul.f32 $8.000000000e+00, v3;
	v3 =	vld [tilespmem:s29+$0x180]  }
0x87: {  	[tilespmem:s29+$0x120] =	vst v1;
	v1 =	vmul.f32 $8.000000000e+00, v4;
	v4 =	vld [tilespmem:s29+$0x190]  }
0x88: {  	v7 =	vld [tilespmem:s29+$0x1A0];
	[tilespmem:s29+$0x130] =	vst v0;
	v5 =	vmul.f32 $8.000000000e+00, v5  }
0x89: {  	v0 =	vld [tilespmem:s29+$0x1B0];
	[tilespmem:s29+$0x140] =	vst v1;
	v6 =	vmul.f32 $8.000000000e+00, v6  }
0x8a: {  	v1 =	vld [tilespmem:s29+$0x1C0];
	[tilespmem:s29+$0x150] =	vst v5;
	v5 =	vmul.f32 $8.000000000e+00, v2  }
0x8b: {  	v2 =	vld [tilespmem:s29+$0x1D0];
	[tilespmem:s29+$0x160] =	vst v6;
	v6 =	vmul.f32 $8.000000000e+00, v3  }
0x8c: {  	v3 =	vld [tilespmem:s29+$0x1E0];
	[tilespmem:s29+$0x170] =	vst v5;
	v5 =	vmul.f32 $8.000000000e+00, v4  }
0x8d: {  	s31 =	simm.s32 $0xCA00;
	s30 =	simm.s32 $0x0;
	v4 =	vld [tilespmem:s29+$0x0];
	[tilespmem:s29+$0x180] =	vst v6;
	v6 =	vmul.f32 $8.000000000e+00, v7  }
.LBB2_5:
0x8e: {  	v7 =	vld [tilespmem:s31+$0x1F0];
	s30 =	sadd.s32 $0x8, s30;
	[tilespmem:s29+$0x190] =	vst v5;
	v0 =	vmul.f32 $8.000000000e+00, v0  }
0x8f: {  	v5 =	vld [tilespmem:s31+$0x10];
	p0 =	slt.u32 s30, $0x188;
	[tilespmem:s29+$0x1A0] =	vst v6;
	v1 =	vmul.f32 $8.000000000e+00, v1  }
0x90: {  	v6 =	vld [tilespmem:s31+$0x20];
	[tilespmem:s29+$0x1B0] =	vst v0;
	v0 =	vmul.f32 $8.000000000e+00, v2  }
0x91: {  	v2 =	vld [tilespmem:s31+$0x30];
	[tilespmem:s29+$0x1C0] =	vst v1;
	v1 =	vmul.f32 $8.000000000e+00, v3  }
0x92: {  	v3 =	vld [tilespmem:s31+$0x40];
	v4 =	vmul.f32 $8.000000000e+00, v4;
	[tilespmem:s29+$0x1D0] =	vst v0  }
0x93: {  	v0 =	vld [tilespmem:s31+$0x50];
	v7 =	vmul.f32 $8.000000000e+00, v7;
	[tilespmem:s29+$0x1E0] =	vst v1  }
0x94: {  	v1 =	vmul.f32 $8.000000000e+00, v5;
	v5 =	vld [tilespmem:s31+$0x60];
	[tilespmem:s29+$0x0] =	vst v4;
	s29 =	smov.u32 s31  }
0x95: {  	v4 =	vmul.f32 $8.000000000e+00, v6;
	v6 =	vld [tilespmem:s31+$0x70];
	[tilespmem:s31+$0x1F0] =	vst v7  }
0x96: {  	[tilespmem:s31+$0x10] =	vst v1;
	v1 =	vmul.f32 $8.000000000e+00, v2;
	v2 =	vld [tilespmem:s31+$0x80]  }
0x97: {  	[tilespmem:s31+$0x20] =	vst v4;
	v3 =	vmul.f32 $8.000000000e+00, v3;
	v4 =	vld [tilespmem:s31+$0x90]  }
0x98: {  	[tilespmem:s31+$0x30] =	vst v1;
	v0 =	vmul.f32 $8.000000000e+00, v0;
	v1 =	vld [tilespmem:s31+$0xA0]  }
0x99: {  	[tilespmem:s31+$0x40] =	vst v3;
	v3 =	vmul.f32 $8.000000000e+00, v5;
	v5 =	vld [tilespmem:s31+$0xB0]  }
0x9a: {  	[tilespmem:s31+$0x50] =	vst v0;
	v0 =	vmul.f32 $8.000000000e+00, v6;
	v6 =	vld [tilespmem:s31+$0xC0]  }
0x9b: {  	[tilespmem:s31+$0x60] =	vst v3;
	v2 =	vmul.f32 $8.000000000e+00, v2;
	v3 =	vld [tilespmem:s31+$0xD0]  }
0x9c: {  	[tilespmem:s31+$0x70] =	vst v0;
	v0 =	vmul.f32 $8.000000000e+00, v4;
	v4 =	vld [tilespmem:s31+$0xE0]  }
0x9d: {  	[tilespmem:s31+$0x80] =	vst v2;
	v1 =	vmul.f32 $8.000000000e+00, v1;
	v2 =	vld [tilespmem:s31+$0xF0]  }
0x9e: {  	[tilespmem:s31+$0x90] =	vst v0;
	v0 =	vmul.f32 $8.000000000e+00, v5;
	v5 =	vld [tilespmem:s31+$0x100]  }
0x9f: {  	[tilespmem:s31+$0xA0] =	vst v1;
	v1 =	vmul.f32 $8.000000000e+00, v6;
	v6 =	vld [tilespmem:s31+$0x110]  }
0xa0: {  	[tilespmem:s31+$0xB0] =	vst v0;
	v0 =	vmul.f32 $8.000000000e+00, v3;
	v3 =	vld [tilespmem:s31+$0x120]  }
0xa1: {  	[tilespmem:s31+$0xC0] =	vst v1;
	v1 =	vmul.f32 $8.000000000e+00, v4;
	v4 =	vld [tilespmem:s31+$0x130]  }
0xa2: {  	[tilespmem:s31+$0xD0] =	vst v0;
	v0 =	vmul.f32 $8.000000000e+00, v2;
	v2 =	vld [tilespmem:s31+$0x140]  }
0xa3: {  	[tilespmem:s31+$0xE0] =	vst v1;
	v1 =	vmul.f32 $8.000000000e+00, v5;
	v5 =	vld [tilespmem:s31+$0x150]  }
0xa4: {  	[tilespmem:s31+$0xF0] =	vst v0;
	v0 =	vmul.f32 $8.000000000e+00, v6;
	v6 =	vld [tilespmem:s31+$0x160]  }
0xa5: {  	[tilespmem:s31+$0x100] =	vst v1;
	v1 =	vmul.f32 $8.000000000e+00, v3;
	v3 =	vld [tilespmem:s31+$0x170]  }
0xa6: {  	[tilespmem:s31+$0x110] =	vst v0;
	v0 =	vmul.f32 $8.000000000e+00, v4;
	v4 =	vld [tilespmem:s31+$0x180]  }
0xa7: {  	[tilespmem:s31+$0x120] =	vst v1;
	v1 =	vmul.f32 $8.000000000e+00, v2;
	v7 =	vld [tilespmem:s31+$0x190]  }
0xa8: {  	[tilespmem:s31+$0x130] =	vst v0;
	v2 =	vmul.f32 $8.000000000e+00, v5;
	v8 =	vld [tilespmem:s31+$0x1A0]  }
.Ltmp1:
0xa9: {  	[tilespmem:s31+$0x140] =	vst v1;
	v5 =	vmul.f32 $8.000000000e+00, v6;
	v0 =	vld [tilespmem:s31+$0x1B0];
	(pc) =	sbr.rel @p0 .LBB2_5-.Ltmp1, $4  }
0xaa: {  	[tilespmem:s31+$0x150] =	vst v2;
	v3 =	vmul.f32 $8.000000000e+00, v3;
	v1 =	vld [tilespmem:s31+$0x1C0]  }
0xab: {  	[tilespmem:s31+$0x160] =	vst v5;
	v6 =	vmul.f32 $8.000000000e+00, v4;
	v2 =	vld [tilespmem:s31+$0x1D0]  }
0xac: {  	[tilespmem:s31+$0x170] =	vst v3;
	v5 =	vmul.f32 $8.000000000e+00, v7;
	v3 =	vld [tilespmem:s31+$0x1E0]  }
0xad: {  	s31 =	sadd.s32 $0x200, s31;
	v4 =	vld [tilespmem:s29+$0x0];
	[tilespmem:s29+$0x180] =	vst v6;
	v6 =	vmul.f32 $8.000000000e+00, v8  }
0xae: {  	[tilespmem:s29+$0x190] =	vst v5;
	v0 =	vmul.f32 $8.000000000e+00, v0  }
0xaf: {  	[tilespmem:s29+$0x1A0] =	vst v6;
	v1 =	vmul.f32 $8.000000000e+00, v1  }
0xb0: {  	[tilespmem:s29+$0x1B0] =	vst v0;
	v0 =	vmul.f32 $8.000000000e+00, v2  }
0xb1: {  	s28 =	sadd.s32 s28, s7;
	[tilespmem:s29+$0x1C0] =	vst v1;
	v1 =	vmul.f32 $8.000000000e+00, v3  }
0xb2: {  	s28 =	sshll.u32 s28, $0x3;
	v2 =	vmul.f32 $8.000000000e+00, v4;
	[tilespmem:s29+$0x1D0] =	vst v0  }
0xb3: {  	s28 =	sand.u32 $0x1FFFFE80, s28;
	[tilespmem:s29+$0x1E0] =	vst v1  }
0xb4: {  	p0 =	seq.s32 s24, $0xF;
	s28 =	sadd.s32 s2, s28;
	[tilespmem:s29+$0x0] =	vst v2  }
0xb5: {  	[hbm4b:s28+s3] =	stream.linear.scatter [tilespmem:s12], [sflag:$0x6], $0x6400, $0x38;
	[tilespmem:$0x1F400] =	vst v63  }
0xb6: {  	s28 =	simm.s32 @!p0 $0x5  }
0xb7: {  	s29 =	smul.u32 @!p0 $0x1900, s24;
	_ =	swait.ge @!p0 [sflag:s28], $0x6400  }
0xb8: {  	[sflag:s28] =	ssyncset.done @!p0 $0x0  }
0xb9: {  	[sflag:s28] =	ssyncadd.s32 @!p0 $0xFFFF9C00;
	s28 =	sshra.s32 @!p0 s29, $0x2  }
0xba: {  	s30 =	simm.s32 @!p0 $0x190;
	s31 =	simm.s32 @!p0 $0x6400;
	s29 =	sadd.s32 @!p0 $0x640, s28  }
0xbb: {  	[tilespmem:s31], [sflag:$0x1] =	stream.indirect.gather @!p0 [hbm4b:s5+s30], $0x40, s29, s30, $0xb8;
	[tilespmem:$0x1F400] =	vst v63  }
0xbc: {  	_ =	swait.ge [sflag:s17], $0x6400  }
0xbd: {  	[sflag:s17] =	ssyncset.done $0x0  }
0xbe: {  	s29 =	simm.s32 $0x12C00;
	[sflag:s17] =	ssyncadd.s32 $0xFFFF9C00  }
0xbf: {  	v0 =	vld [tilespmem:s29+$0x1F0]  }
0xc0: {  	v1 =	vld [tilespmem:s29+$0x10]  }
0xc1: {  	v2 =	vld [tilespmem:s29+$0x20]  }
0xc2: {  	v3 =	vld [tilespmem:s29+$0x30]  }
0xc3: {  	v4 =	vld [tilespmem:s29+$0x40]  }
0xc4: {  	v5 =	vld [tilespmem:s29+$0x50];
	v0 =	vmul.f32 $8.000000000e+00, v0  }
0xc5: {  	v6 =	vld [tilespmem:s29+$0x60];
	v1 =	vmul.f32 $8.000000000e+00, v1  }
0xc6: {  	v7 =	vld [tilespmem:s29+$0x70];
	v2 =	vmul.f32 $8.000000000e+00, v2;
	[tilespmem:s29+$0x1F0] =	vst v0  }
0xc7: {  	[tilespmem:s29+$0x10] =	vst v1;
	v0 =	vmul.f32 $8.000000000e+00, v3;
	v1 =	vld [tilespmem:s29+$0x80]  }
0xc8: {  	[tilespmem:s29+$0x20] =	vst v2;
	v2 =	vmul.f32 $8.000000000e+00, v4;
	v3 =	vld [tilespmem:s29+$0x90]  }
0xc9: {  	v4 =	vld [tilespmem:s29+$0xA0];
	[tilespmem:s29+$0x30] =	vst v0;
	v0 =	vmul.f32 $8.000000000e+00, v5  }
0xca: {  	[tilespmem:s29+$0x40] =	vst v2;
	v2 =	vmul.f32 $8.000000000e+00, v6;
	v5 =	vld [tilespmem:s29+$0xB0]  }
0xcb: {  	v6 =	vld [tilespmem:s29+$0xC0];
	[tilespmem:s29+$0x50] =	vst v0;
	v0 =	vmul.f32 $8.000000000e+00, v7  }
0xcc: {  	[tilespmem:s29+$0x60] =	vst v2;
	v2 =	vld [tilespmem:s29+$0xD0];
	v1 =	vmul.f32 $8.000000000e+00, v1  }
0xcd: {  	[tilespmem:s29+$0x70] =	vst v0;
	v0 =	vmul.f32 $8.000000000e+00, v3;
	v3 =	vld [tilespmem:s29+$0xE0]  }
0xce: {  	[tilespmem:s29+$0x80] =	vst v1;
	v1 =	vmul.f32 $8.000000000e+00, v4;
	v4 =	vld [tilespmem:s29+$0xF0]  }
0xcf: {  	[tilespmem:s29+$0x90] =	vst v0;
	v0 =	vmul.f32 $8.000000000e+00, v5;
	v5 =	vld [tilespmem:s29+$0x100]  }
0xd0: {  	[tilespmem:s29+$0xA0] =	vst v1;
	v1 =	vmul.f32 $8.000000000e+00, v6;
	v6 =	vld [tilespmem:s29+$0x110]  }
0xd1: {  	[tilespmem:s29+$0xB0] =	vst v0;
	v0 =	vmul.f32 $8.000000000e+00, v2;
	v2 =	vld [tilespmem:s29+$0x120]  }
0xd2: {  	[tilespmem:s29+$0xC0] =	vst v1;
	v1 =	vmul.f32 $8.000000000e+00, v3;
	v3 =	vld [tilespmem:s29+$0x130]  }
0xd3: {  	[tilespmem:s29+$0xD0] =	vst v0;
	v0 =	vmul.f32 $8.000000000e+00, v4;
	v4 =	vld [tilespmem:s29+$0x140]  }
0xd4: {  	[tilespmem:s29+$0xE0] =	vst v1;
	v1 =	vmul.f32 $8.000000000e+00, v5;
	v5 =	vld [tilespmem:s29+$0x150]  }
0xd5: {  	[tilespmem:s29+$0xF0] =	vst v0;
	v0 =	vmul.f32 $8.000000000e+00, v6;
	v6 =	vld [tilespmem:s29+$0x160]  }
0xd6: {  	[tilespmem:s29+$0x100] =	vst v1;
	v1 =	vmul.f32 $8.000000000e+00, v2;
	v2 =	vld [tilespmem:s29+$0x170]  }
0xd7: {  	[tilespmem:s29+$0x110] =	vst v0;
	v0 =	vmul.f32 $8.000000000e+00, v3;
	v3 =	vld [tilespmem:s29+$0x180]  }
0xd8: {  	[tilespmem:s29+$0x120] =	vst v1;
	v1 =	vmul.f32 $8.000000000e+00, v4;
	v4 =	vld [tilespmem:s29+$0x190]  }
0xd9: {  	v7 =	vld [tilespmem:s29+$0x1A0];
	[tilespmem:s29+$0x130] =	vst v0;
	v5 =	vmul.f32 $8.000000000e+00, v5  }
0xda: {  	v0 =	vld [tilespmem:s29+$0x1B0];
	[tilespmem:s29+$0x140] =	vst v1;
	v6 =	vmul.f32 $8.000000000e+00, v6  }
0xdb: {  	v1 =	vld [tilespmem:s29+$0x1C0];
	[tilespmem:s29+$0x150] =	vst v5;
	v5 =	vmul.f32 $8.000000000e+00, v2  }
0xdc: {  	v2 =	vld [tilespmem:s29+$0x1D0];
	[tilespmem:s29+$0x160] =	vst v6;
	v6 =	vmul.f32 $8.000000000e+00, v3  }
0xdd: {  	v3 =	vld [tilespmem:s29+$0x1E0];
	[tilespmem:s29+$0x170] =	vst v5;
	v5 =	vmul.f32 $8.000000000e+00, v4  }
0xde: {  	s30 =	simm.s32 $0x0;
	s31 =	simm.s32 $0x12E00;
	v4 =	vld [tilespmem:s29+$0x0];
	[tilespmem:s29+$0x180] =	vst v6;
	v6 =	vmul.f32 $8.000000000e+00, v7  }
.LBB2_7:
0xdf: {  	v7 =	vld [tilespmem:s31+$0x1F0];
	s30 =	sadd.s32 $0x8, s30;
	[tilespmem:s29+$0x190] =	vst v5;
	v0 =	vmul.f32 $8.000000000e+00, v0  }
0xe0: {  	v5 =	vld [tilespmem:s31+$0x10];
	p1 =	slt.u32 s30, $0x188;
	[tilespmem:s29+$0x1A0] =	vst v6;
	v1 =	vmul.f32 $8.000000000e+00, v1  }
0xe1: {  	v6 =	vld [tilespmem:s31+$0x20];
	[tilespmem:s29+$0x1B0] =	vst v0;
	v0 =	vmul.f32 $8.000000000e+00, v2  }
0xe2: {  	v2 =	vld [tilespmem:s31+$0x30];
	[tilespmem:s29+$0x1C0] =	vst v1;
	v1 =	vmul.f32 $8.000000000e+00, v3  }
0xe3: {  	v3 =	vld [tilespmem:s31+$0x40];
	v4 =	vmul.f32 $8.000000000e+00, v4;
	[tilespmem:s29+$0x1D0] =	vst v0  }
0xe4: {  	v0 =	vld [tilespmem:s31+$0x50];
	v7 =	vmul.f32 $8.000000000e+00, v7;
	[tilespmem:s29+$0x1E0] =	vst v1  }
0xe5: {  	v1 =	vmul.f32 $8.000000000e+00, v5;
	v5 =	vld [tilespmem:s31+$0x60];
	[tilespmem:s29+$0x0] =	vst v4;
	s29 =	smov.u32 s31  }
0xe6: {  	v4 =	vmul.f32 $8.000000000e+00, v6;
	v6 =	vld [tilespmem:s31+$0x70];
	[tilespmem:s31+$0x1F0] =	vst v7  }
0xe7: {  	[tilespmem:s31+$0x10] =	vst v1;
	v1 =	vmul.f32 $8.000000000e+00, v2;
	v2 =	vld [tilespmem:s31+$0x80]  }
0xe8: {  	[tilespmem:s31+$0x20] =	vst v4;
	v3 =	vmul.f32 $8.000000000e+00, v3;
	v4 =	vld [tilespmem:s31+$0x90]  }
0xe9: {  	[tilespmem:s31+$0x30] =	vst v1;
	v0 =	vmul.f32 $8.000000000e+00, v0;
	v1 =	vld [tilespmem:s31+$0xA0]  }
0xea: {  	[tilespmem:s31+$0x40] =	vst v3;
	v3 =	vmul.f32 $8.000000000e+00, v5;
	v5 =	vld [tilespmem:s31+$0xB0]  }
0xeb: {  	[tilespmem:s31+$0x50] =	vst v0;
	v0 =	vmul.f32 $8.000000000e+00, v6;
	v6 =	vld [tilespmem:s31+$0xC0]  }
0xec: {  	[tilespmem:s31+$0x60] =	vst v3;
	v2 =	vmul.f32 $8.000000000e+00, v2;
	v3 =	vld [tilespmem:s31+$0xD0]  }
0xed: {  	[tilespmem:s31+$0x70] =	vst v0;
	v0 =	vmul.f32 $8.000000000e+00, v4;
	v4 =	vld [tilespmem:s31+$0xE0]  }
0xee: {  	[tilespmem:s31+$0x80] =	vst v2;
	v1 =	vmul.f32 $8.000000000e+00, v1;
	v2 =	vld [tilespmem:s31+$0xF0]  }
0xef: {  	[tilespmem:s31+$0x90] =	vst v0;
	v0 =	vmul.f32 $8.000000000e+00, v5;
	v5 =	vld [tilespmem:s31+$0x100]  }
0xf0: {  	[tilespmem:s31+$0xA0] =	vst v1;
	v1 =	vmul.f32 $8.000000000e+00, v6;
	v6 =	vld [tilespmem:s31+$0x110]  }
0xf1: {  	[tilespmem:s31+$0xB0] =	vst v0;
	v0 =	vmul.f32 $8.000000000e+00, v3;
	v3 =	vld [tilespmem:s31+$0x120]  }
0xf2: {  	[tilespmem:s31+$0xC0] =	vst v1;
	v1 =	vmul.f32 $8.000000000e+00, v4;
	v4 =	vld [tilespmem:s31+$0x130]  }
0xf3: {  	[tilespmem:s31+$0xD0] =	vst v0;
	v0 =	vmul.f32 $8.000000000e+00, v2;
	v2 =	vld [tilespmem:s31+$0x140]  }
0xf4: {  	[tilespmem:s31+$0xE0] =	vst v1;
	v1 =	vmul.f32 $8.000000000e+00, v5;
	v5 =	vld [tilespmem:s31+$0x150]  }
0xf5: {  	[tilespmem:s31+$0xF0] =	vst v0;
	v0 =	vmul.f32 $8.000000000e+00, v6;
	v6 =	vld [tilespmem:s31+$0x160]  }
0xf6: {  	[tilespmem:s31+$0x100] =	vst v1;
	v1 =	vmul.f32 $8.000000000e+00, v3;
	v3 =	vld [tilespmem:s31+$0x170]  }
0xf7: {  	[tilespmem:s31+$0x110] =	vst v0;
	v0 =	vmul.f32 $8.000000000e+00, v4;
	v4 =	vld [tilespmem:s31+$0x180]  }
0xf8: {  	[tilespmem:s31+$0x120] =	vst v1;
	v1 =	vmul.f32 $8.000000000e+00, v2;
	v7 =	vld [tilespmem:s31+$0x190]  }
0xf9: {  	[tilespmem:s31+$0x130] =	vst v0;
	v2 =	vmul.f32 $8.000000000e+00, v5;
	v8 =	vld [tilespmem:s31+$0x1A0]  }
.Ltmp2:
0xfa: {  	[tilespmem:s31+$0x140] =	vst v1;
	v5 =	vmul.f32 $8.000000000e+00, v6;
	v0 =	vld [tilespmem:s31+$0x1B0];
	(pc) =	sbr.rel @p1 .LBB2_7-.Ltmp2, $4  }
0xfb: {  	[tilespmem:s31+$0x150] =	vst v2;
	v3 =	vmul.f32 $8.000000000e+00, v3;
	v1 =	vld [tilespmem:s31+$0x1C0]  }
0xfc: {  	[tilespmem:s31+$0x160] =	vst v5;
	v6 =	vmul.f32 $8.000000000e+00, v4;
	v2 =	vld [tilespmem:s31+$0x1D0]  }
0xfd: {  	[tilespmem:s31+$0x170] =	vst v3;
	v5 =	vmul.f32 $8.000000000e+00, v7;
	v3 =	vld [tilespmem:s31+$0x1E0]  }
0xfe: {  	s31 =	sadd.s32 $0x200, s31;
	v4 =	vld [tilespmem:s29+$0x0];
	[tilespmem:s29+$0x180] =	vst v6;
	v6 =	vmul.f32 $8.000000000e+00, v8  }
0xff: {  	[tilespmem:s29+$0x190] =	vst v5;
	v0 =	vmul.f32 $8.000000000e+00, v0  }
0x100: {  	s26 =	smul.u32 $0x190, s26;
	[tilespmem:s29+$0x1A0] =	vst v6;
	v1 =	vmul.f32 $8.000000000e+00, v1  }
0x101: {  	[tilespmem:s29+$0x1B0] =	vst v0;
	v0 =	vmul.f32 $8.000000000e+00, v2  }
0x102: {  	s26 =	sadd.s32 s4, s26;
	[tilespmem:s29+$0x1C0] =	vst v1;
	v1 =	vmul.f32 $8.000000000e+00, v3  }
0x103: {  	s26 =	sshll.u32 s26, $0x3;
	v2 =	vmul.f32 $8.000000000e+00, v4;
	[tilespmem:s29+$0x1D0] =	vst v0  }
0x104: {  	s26 =	sand.u32 $0x1FFFFF00, s26;
	[tilespmem:s29+$0x1E0] =	vst v1  }
0x105: {  	s26 =	sadd.s32 s2, s26;
	[tilespmem:s29+$0x0] =	vst v2  }
0x106: {  	[hbm4b:s26+s3] =	stream.linear.scatter [tilespmem:s13], [sflag:$0x7], $0x6400, $0x38;
	[tilespmem:$0x1F400] =	vst v63  }
0x107: {  	s26 =	simm.s32 @!p0 $0x6  }
0x108: {  	_ =	swait.ge @!p0 [sflag:s26], $0x6400  }
0x109: {  	s29 =	simm.s32 @!p0 $0xC800;
	[sflag:s26] =	ssyncset.done @!p0 $0x0  }
0x10a: {  	[sflag:s26] =	ssyncadd.s32 @!p0 $0xFFFF9C00;
	s26 =	sadd.s32 @!p0 $0x7D0, s28;
	s28 =	simm.s32 @!p0 $0x190  }
0x10b: {  	[tilespmem:s29], [sflag:$0x2] =	stream.indirect.gather @!p0 [hbm4b:s5+s28], $0x40, s26, s28, $0xb8;
	[tilespmem:$0x1F400] =	vst v63  }
0x10c: {  	_ =	swait.ge [sflag:s18], $0x6400  }
0x10d: {  	[sflag:s18] =	ssyncset.done $0x0  }
0x10e: {  	s26 =	simm.s32 $0x19000;
	[sflag:s18] =	ssyncadd.s32 $0xFFFF9C00  }
0x10f: {  	v0 =	vld [tilespmem:s26+$0x1F0]  }
0x110: {  	v1 =	vld [tilespmem:s26+$0x10]  }
0x111: {  	v2 =	vld [tilespmem:s26+$0x20]  }
0x112: {  	v3 =	vld [tilespmem:s26+$0x30]  }
0x113: {  	v4 =	vld [tilespmem:s26+$0x40]  }
0x114: {  	v5 =	vld [tilespmem:s26+$0x50];
	v0 =	vmul.f32 $8.000000000e+00, v0  }
0x115: {  	v6 =	vld [tilespmem:s26+$0x60];
	v1 =	vmul.f32 $8.000000000e+00, v1  }
0x116: {  	v7 =	vld [tilespmem:s26+$0x70];
	v2 =	vmul.f32 $8.000000000e+00, v2;
	[tilespmem:s26+$0x1F0] =	vst v0  }
0x117: {  	[tilespmem:s26+$0x10] =	vst v1;
	v0 =	vmul.f32 $8.000000000e+00, v3;
	v1 =	vld [tilespmem:s26+$0x80]  }
0x118: {  	[tilespmem:s26+$0x20] =	vst v2;
	v2 =	vmul.f32 $8.000000000e+00, v4;
	v3 =	vld [tilespmem:s26+$0x90]  }
0x119: {  	v4 =	vld [tilespmem:s26+$0xA0];
	[tilespmem:s26+$0x30] =	vst v0;
	v0 =	vmul.f32 $8.000000000e+00, v5  }
0x11a: {  	[tilespmem:s26+$0x40] =	vst v2;
	v2 =	vmul.f32 $8.000000000e+00, v6;
	v5 =	vld [tilespmem:s26+$0xB0]  }
0x11b: {  	v6 =	vld [tilespmem:s26+$0xC0];
	[tilespmem:s26+$0x50] =	vst v0;
	v0 =	vmul.f32 $8.000000000e+00, v7  }
0x11c: {  	[tilespmem:s26+$0x60] =	vst v2;
	v2 =	vld [tilespmem:s26+$0xD0];
	v1 =	vmul.f32 $8.000000000e+00, v1  }
0x11d: {  	[tilespmem:s26+$0x70] =	vst v0;
	v0 =	vmul.f32 $8.000000000e+00, v3;
	v3 =	vld [tilespmem:s26+$0xE0]  }
0x11e: {  	[tilespmem:s26+$0x80] =	vst v1;
	v1 =	vmul.f32 $8.000000000e+00, v4;
	v4 =	vld [tilespmem:s26+$0xF0]  }
0x11f: {  	[tilespmem:s26+$0x90] =	vst v0;
	v0 =	vmul.f32 $8.000000000e+00, v5;
	v5 =	vld [tilespmem:s26+$0x100]  }
0x120: {  	[tilespmem:s26+$0xA0] =	vst v1;
	v1 =	vmul.f32 $8.000000000e+00, v6;
	v6 =	vld [tilespmem:s26+$0x110]  }
0x121: {  	[tilespmem:s26+$0xB0] =	vst v0;
	v0 =	vmul.f32 $8.000000000e+00, v2;
	v2 =	vld [tilespmem:s26+$0x120]  }
0x122: {  	[tilespmem:s26+$0xC0] =	vst v1;
	v1 =	vmul.f32 $8.000000000e+00, v3;
	v3 =	vld [tilespmem:s26+$0x130]  }
0x123: {  	[tilespmem:s26+$0xD0] =	vst v0;
	v0 =	vmul.f32 $8.000000000e+00, v4;
	v4 =	vld [tilespmem:s26+$0x140]  }
0x124: {  	[tilespmem:s26+$0xE0] =	vst v1;
	v1 =	vmul.f32 $8.000000000e+00, v5;
	v5 =	vld [tilespmem:s26+$0x150]  }
0x125: {  	[tilespmem:s26+$0xF0] =	vst v0;
	v0 =	vmul.f32 $8.000000000e+00, v6;
	v6 =	vld [tilespmem:s26+$0x160]  }
0x126: {  	[tilespmem:s26+$0x100] =	vst v1;
	v1 =	vmul.f32 $8.000000000e+00, v2;
	v2 =	vld [tilespmem:s26+$0x170]  }
0x127: {  	[tilespmem:s26+$0x110] =	vst v0;
	v0 =	vmul.f32 $8.000000000e+00, v3;
	v3 =	vld [tilespmem:s26+$0x180]  }
0x128: {  	[tilespmem:s26+$0x120] =	vst v1;
	v1 =	vmul.f32 $8.000000000e+00, v4;
	v4 =	vld [tilespmem:s26+$0x190]  }
0x129: {  	v7 =	vld [tilespmem:s26+$0x1A0];
	[tilespmem:s26+$0x130] =	vst v0;
	v5 =	vmul.f32 $8.000000000e+00, v5  }
0x12a: {  	v0 =	vld [tilespmem:s26+$0x1B0];
	[tilespmem:s26+$0x140] =	vst v1;
	v6 =	vmul.f32 $8.000000000e+00, v6  }
0x12b: {  	v1 =	vld [tilespmem:s26+$0x1C0];
	[tilespmem:s26+$0x150] =	vst v5;
	v5 =	vmul.f32 $8.000000000e+00, v2  }
0x12c: {  	v2 =	vld [tilespmem:s26+$0x1D0];
	[tilespmem:s26+$0x160] =	vst v6;
	v6 =	vmul.f32 $8.000000000e+00, v3  }
0x12d: {  	v3 =	vld [tilespmem:s26+$0x1E0];
	[tilespmem:s26+$0x170] =	vst v5;
	v5 =	vmul.f32 $8.000000000e+00, v4  }
0x12e: {  	s28 =	simm.s32 $0x0;
	s29 =	simm.s32 $0x19200;
	v4 =	vld [tilespmem:s26+$0x0];
	[tilespmem:s26+$0x180] =	vst v6;
	v6 =	vmul.f32 $8.000000000e+00, v7  }
.LBB2_9:
0x12f: {  	v7 =	vld [tilespmem:s29+$0x1F0];
	s28 =	sadd.s32 $0x8, s28;
	[tilespmem:s26+$0x190] =	vst v5;
	v0 =	vmul.f32 $8.000000000e+00, v0  }
0x130: {  	v5 =	vld [tilespmem:s29+$0x10];
	p0 =	slt.u32 s28, $0x188;
	[tilespmem:s26+$0x1A0] =	vst v6;
	v1 =	vmul.f32 $8.000000000e+00, v1  }
0x131: {  	v6 =	vld [tilespmem:s29+$0x20];
	[tilespmem:s26+$0x1B0] =	vst v0;
	v0 =	vmul.f32 $8.000000000e+00, v2  }
0x132: {  	v2 =	vld [tilespmem:s29+$0x30];
	[tilespmem:s26+$0x1C0] =	vst v1;
	v1 =	vmul.f32 $8.000000000e+00, v3  }
0x133: {  	v3 =	vld [tilespmem:s29+$0x40];
	v4 =	vmul.f32 $8.000000000e+00, v4;
	[tilespmem:s26+$0x1D0] =	vst v0  }
0x134: {  	v0 =	vld [tilespmem:s29+$0x50];
	v7 =	vmul.f32 $8.000000000e+00, v7;
	[tilespmem:s26+$0x1E0] =	vst v1  }
0x135: {  	v1 =	vmul.f32 $8.000000000e+00, v5;
	v5 =	vld [tilespmem:s29+$0x60];
	[tilespmem:s26+$0x0] =	vst v4;
	s26 =	smov.u32 s29  }
0x136: {  	v4 =	vmul.f32 $8.000000000e+00, v6;
	v6 =	vld [tilespmem:s29+$0x70];
	[tilespmem:s29+$0x1F0] =	vst v7  }
0x137: {  	[tilespmem:s29+$0x10] =	vst v1;
	v1 =	vmul.f32 $8.000000000e+00, v2;
	v2 =	vld [tilespmem:s29+$0x80]  }
0x138: {  	[tilespmem:s29+$0x20] =	vst v4;
	v3 =	vmul.f32 $8.000000000e+00, v3;
	v4 =	vld [tilespmem:s29+$0x90]  }
0x139: {  	[tilespmem:s29+$0x30] =	vst v1;
	v0 =	vmul.f32 $8.000000000e+00, v0;
	v1 =	vld [tilespmem:s29+$0xA0]  }
0x13a: {  	[tilespmem:s29+$0x40] =	vst v3;
	v3 =	vmul.f32 $8.000000000e+00, v5;
	v5 =	vld [tilespmem:s29+$0xB0]  }
0x13b: {  	[tilespmem:s29+$0x50] =	vst v0;
	v0 =	vmul.f32 $8.000000000e+00, v6;
	v6 =	vld [tilespmem:s29+$0xC0]  }
0x13c: {  	[tilespmem:s29+$0x60] =	vst v3;
	v2 =	vmul.f32 $8.000000000e+00, v2;
	v3 =	vld [tilespmem:s29+$0xD0]  }
0x13d: {  	[tilespmem:s29+$0x70] =	vst v0;
	v0 =	vmul.f32 $8.000000000e+00, v4;
	v4 =	vld [tilespmem:s29+$0xE0]  }
0x13e: {  	[tilespmem:s29+$0x80] =	vst v2;
	v1 =	vmul.f32 $8.000000000e+00, v1;
	v2 =	vld [tilespmem:s29+$0xF0]  }
0x13f: {  	[tilespmem:s29+$0x90] =	vst v0;
	v0 =	vmul.f32 $8.000000000e+00, v5;
	v5 =	vld [tilespmem:s29+$0x100]  }
0x140: {  	[tilespmem:s29+$0xA0] =	vst v1;
	v1 =	vmul.f32 $8.000000000e+00, v6;
	v6 =	vld [tilespmem:s29+$0x110]  }
0x141: {  	[tilespmem:s29+$0xB0] =	vst v0;
	v0 =	vmul.f32 $8.000000000e+00, v3;
	v3 =	vld [tilespmem:s29+$0x120]  }
0x142: {  	[tilespmem:s29+$0xC0] =	vst v1;
	v1 =	vmul.f32 $8.000000000e+00, v4;
	v4 =	vld [tilespmem:s29+$0x130]  }
0x143: {  	[tilespmem:s29+$0xD0] =	vst v0;
	v0 =	vmul.f32 $8.000000000e+00, v2;
	v2 =	vld [tilespmem:s29+$0x140]  }
0x144: {  	[tilespmem:s29+$0xE0] =	vst v1;
	v1 =	vmul.f32 $8.000000000e+00, v5;
	v5 =	vld [tilespmem:s29+$0x150]  }
0x145: {  	[tilespmem:s29+$0xF0] =	vst v0;
	v0 =	vmul.f32 $8.000000000e+00, v6;
	v6 =	vld [tilespmem:s29+$0x160]  }
0x146: {  	[tilespmem:s29+$0x100] =	vst v1;
	v1 =	vmul.f32 $8.000000000e+00, v3;
	v3 =	vld [tilespmem:s29+$0x170]  }
0x147: {  	[tilespmem:s29+$0x110] =	vst v0;
	v0 =	vmul.f32 $8.000000000e+00, v4;
	v4 =	vld [tilespmem:s29+$0x180]  }
0x148: {  	[tilespmem:s29+$0x120] =	vst v1;
	v1 =	vmul.f32 $8.000000000e+00, v2;
	v7 =	vld [tilespmem:s29+$0x190]  }
0x149: {  	[tilespmem:s29+$0x130] =	vst v0;
	v2 =	vmul.f32 $8.000000000e+00, v5;
	v8 =	vld [tilespmem:s29+$0x1A0]  }
.Ltmp3:
0x14a: {  	[tilespmem:s29+$0x140] =	vst v1;
	v5 =	vmul.f32 $8.000000000e+00, v6;
	v0 =	vld [tilespmem:s29+$0x1B0];
	(pc) =	sbr.rel @p0 .LBB2_9-.Ltmp3, $4  }
0x14b: {  	[tilespmem:s29+$0x150] =	vst v2;
	v3 =	vmul.f32 $8.000000000e+00, v3;
	v1 =	vld [tilespmem:s29+$0x1C0]  }
0x14c: {  	[tilespmem:s29+$0x160] =	vst v5;
	v6 =	vmul.f32 $8.000000000e+00, v4;
	v2 =	vld [tilespmem:s29+$0x1D0]  }
0x14d: {  	[tilespmem:s29+$0x170] =	vst v3;
	v5 =	vmul.f32 $8.000000000e+00, v7;
	v3 =	vld [tilespmem:s29+$0x1E0]  }
0x14e: {  	s29 =	sadd.s32 $0x200, s29;
	v4 =	vld [tilespmem:s26+$0x0];
	[tilespmem:s26+$0x180] =	vst v6;
	v6 =	vmul.f32 $8.000000000e+00, v8  }
0x14f: {  	[tilespmem:s26+$0x190] =	vst v5;
	v0 =	vmul.f32 $8.000000000e+00, v0  }
0x150: {  	s25 =	smul.u32 $0x190, s25;
	s24 =	sadd.s32 $0x1, s24;
	[tilespmem:s26+$0x1A0] =	vst v6;
	v1 =	vmul.f32 $8.000000000e+00, v1  }
0x151: {  	p0 =	sne.s32 s24, $0x10;
	[tilespmem:s26+$0x1B0] =	vst v0;
	v61 =	vmul.f32 $8.000000000e+00, v2  }
.Ltmp4:
0x152: {  	s25 =	sadd.s32 s4, s25;
	[tilespmem:s26+$0x1C0] =	vst v1;
	v62 =	vmul.f32 $8.000000000e+00, v3;
	(pc) =	sbr.rel @p0 .LBB2_2-.Ltmp4, $4  }
0x153: {  	s25 =	sshll.u32 s25, $0x3;
	v63 =	vmul.f32 $8.000000000e+00, v4;
	[tilespmem:s26+$0x1D0] =	vst v61  }
0x154: {  	s25 =	sand.u32 $0x1FFFFF80, s25;
	[tilespmem:s26+$0x1E0] =	vst v62  }
0x155: {  	s25 =	sadd.s32 s2, s25;
	[tilespmem:s26+$0x0] =	vst v63  }
0x156: {  	[hbm4b:s25+s3] =	stream.linear.scatter [tilespmem:s15], [sflag:$0x8], $0x6400, $0x38;
	[tilespmem:$0x1F400] =	vst v63  }
0x157: {  	_ =	swait.ge [sflag:s19], $0x6400  }
0x158: {  	[sflag:s19] =	ssyncset.done $0x0  }
0x159: {  	[sflag:s19] =	ssyncadd.s32 $0xFFFF9C00  }
0x15a: {  	_ =	swait.ge [sflag:s20], $0x6400  }
0x15b: {  	[sflag:s20] =	ssyncset.done $0x0  }
0x15c: {  	s23 =	sadd.s32 $0x1, s23;
	[sflag:s20] =	ssyncadd.s32 $0xFFFF9C00  }
0x15d: {  	p0 =	sne.s32 s23, s8;
	_ =	swait.ge [sflag:s21], $0x6400  }
.Ltmp5:
0x15e: {  	[sflag:s21] =	ssyncset.done $0x0;
	(pc) =	sbr.rel @p0 .LBB2_1-.Ltmp5, $4  }
0x15f: {  	[sflag:s21] =	ssyncadd.s32 $0xFFFF9C00  }
0x160: {  	_ =	swait.ge [sflag:s22], $0x6400  }
0x161: {  	[sflag:s22] =	ssyncset.done $0x0  }
0x162: {  	[sflag:s22] =	ssyncadd.s32 $0xFFFF9C00  }
0x163: {  	_ =	sfence.sel $0x180000  }
0x164: {  	[bflag:$0x0] =	sbarrier.arrive $0xFFFF  }
0x165: {  	p0 =	sne.s32 s0, $0x0;
	_ =	strace $0x90000047  }
0x166: {  	s0 =	sadd.s32 @!p0 $0x100000, s1;
	[bflag:$0x2] =	sbarrier.arrive $0xFFFF  }
0x167: {  	[sflag:s0] =	ssyncadd.tile.s32 @!p0 $0x1;
	_ =	shalt  }
.Lfunc_end2:
_tile_overlayer_lowered:
.L_overlay_start_2:
0x168: {  	(tag) =	ssettag $0x2  }
0x169: {  	s0 =	rddreg [dreg:$0x0];
	s2 =	stileid.u32  }
0x16a: {  	s1 =	rddreg [dreg:$0x1];
	p0 =	sne.s32 s2, $0x0  }
0x16b: {  	s3 =	rddreg [dreg:$0x2];
	[bflag:$0x3] =	sbarrier.arrive $0xFFFF;
	s2 =	simm.s32 @!p0 $0x1C09  }
0x16c: {  	[timem:s3], [sflag:s2] =	dma.local @!p0 [hbm:s0], s1  }
0x16d: {  	s0 =	simm.s32 @!p0 $0x9  }
0x16e: {  	_ =	swait.ge @!p0 [sflag:s0], s1  }
0x16f: {  	s1 =	ssub.s32 @!p0 $0x0, s1;
	[sflag:s0] =	ssyncset.done @!p0 $0x0  }
0x170: {  	[sflag:s0] =	ssyncadd.s32 @!p0 s1  }
0x171: {  	[bflag:$0x3] =	sbarrier.arrive $0xFFFF  }
0x172: {  	_ =	shalt  }

// kernel: sparse-core-data-format-call.cloned.1.call-start
scs
called_computation_lowered:
.L_overlay_start_0:
0x0: {  	s2 =	sld [smem:$0x3FD9]  }
0x1: {  	s3 =	sld [smem:$0x3FFE];
	_ =	sdelay $0x1  }
0x2: {  	s1 =	srdreg.scid  }
0x3: {  	s0 =	sand.u32 $0x1, s1  }
0x4: {  	s18 =	sshll.u32 s0, $0xA;
	s2 =	sadd.s32 s3, s2  }
0x5: {  	s2 =	sadd.s32 s2, s18  }
0x6: {  	[smem:$0x3FC6] =	sst s2  }
0x7: {  	_ = 	snop  }
0x8: {  	s2 =	sld [smem:$0x3FD0];
	(tm) =	ssettm $0x1  }
0x9: {  	s19 =	sld [smem:$0x3FFB];
	_ =	sdelay $0x3  }
0xa: {  	_ =	strace s19  }
0xb: {  	s3 =	sld [smem:$0x3FFC];
	_ =	sdelay $0x3  }
0xc: {  	_ =	strace s3  }
0xd: {  	s3 =	sld [smem:$0x3FFD];
	_ =	sdelay $0x3  }
0xe: {  	_ =	strace s3  }
0xf: {  	_ =	strace $0x8FFFFFFF  }
0x10: {  	s20 =	sld [smem:$0x3FDB];
	_ =	sdelay $0x1  }
0x11: {  	s4 =	simm.s32 $_scs_section_size  }
0x12: {  	s5 =	simm.s32 $_size__tile_overlayer_lowered;
	s6 =	simm.s32 $_tile_overlayer_lowered  }
0x13: {  	s23 =	simm.s32 $0x1BFF;
	s22 =	sshll.u32 s6, $0x1;
	s3 =	sadd.s32 s4, s20  }
0x14: {  	s7 =	simm.s32 $0x0;
	s21 =	sshll.u32 s5, $0x1;
	s5 =	sadd.s32 s22, s3  }
0x15: {  	[timem:s7], [sflag:s23] =	dma.local [hbm:s5], s21  }
0x16: {  	_ =	swait.ge [sflag:s23], s21  }
0x17: {  	s4 =	ssub.s32 $0x0, s21;
	[sflag:s23] =	ssyncset.done $0x0  }
0x18: {  	[sflag:s23] =	ssyncadd.s32 s4;
	_ =	sdelay $0x1  }
0x19: {  	s24 =	simm.s32 $0x1B8B  }
0x1a: {  	_ =	swait.ge [sflag:s24], $0x1  }
0x1b: {  	[sflag:s24] =	ssyncset.done $0x0  }
0x1c: {  	s26 =	simm.s32 $0x1B8E;
	s25 =	sld [smem:$0x3FFE];
	[sflag:s24] =	ssyncadd.s32 $0xFFFFFFFF  }
0x1d: {  	s27 =	simm.s32 $execute0_lowered;
	[smem:$0x3FD2] =	sst s26  }
0x1e: {  	s5 =	sshll.u32 s27, $0x1;
	_ =	strace $0x80000049;
	[dreg:$0x1] =	wrdreg $0xFFFFFFFF  }
0x1f: {  	s28 =	simm.s32 $_size_execute0_lowered;
	s3 =	sadd.s32 s3, s5;
	[dreg:$0x0] =	wrdreg $0x0  }
0x20: {  	s5 =	sshll.u32 s28, $0x1;
	[dreg:$0x2] =	wrdreg s3  }
0x21: {  	[dreg:$0x3] =	wrdreg s5  }
0x22: {  	[dreg:$0x4] =	wrdreg $0xC0  }
0x23: {  	_ =	task [dreg:s7], $0x5FFFF  }
0x24: {  	[dreg:$0x1] =	wrdreg $0xFFFFFFFF  }
0x25: {  	[dreg:$0x0] =	wrdreg $0x60  }
0x26: {  	[dreg:$0x2] =	wrdreg s25  }
0x27: {  	[dreg:$0x3] =	wrdreg s2  }
0x28: {  	[dreg:$0x4] =	wrdreg $0x9  }
0x29: {  	_ =	task.clear_ibuf [dreg:s7], $0x5FFFF;
	_ =	strace $0x90000049  }
0x2a: {  	s29 =	simm.s32 $0x9;
	_ =	strace $0x8000004B  }
0x2b: {  	_ =	swait.ge [sflag:s29], $0x1  }
0x2c: {  	[sflag:s29] =	ssyncadd.s32 $0xFFFFFFFF  }
0x2d: {  	_ =	strace $0x9000004B  }
0x2e: {  	_ =	sfence  }
0x2f: {  	s30 =	sld [smem:$0x0];
	_ =	sdelay $0x2  }
0x30: {  	s31 =	sshll.u32 s1, $0xD;
	s1 =	sshrl.u32 s1, $0x2  }
0x31: {  	s3 =	sand.u32 $0x4000, s31;
	s1 =	sadd.s32 s1, s30  }
0x32: {  	s0 =	sor.u32 s3, s0;
	s1 =	sshll.u32 s1, $0x11  }
0x33: {  	s0 =	sor.u32 s1, s0  }
0x34: {  	s0 =	sadd.s32 $0x8F2B, s0  }
0x35: {  	[sflag:s0] =	ssyncadd.remote.s32 $0x1  }
0x36: {  	_ =	sfence.sel $0xFFFF  }
0x37: {  	[dreg:$0x0] =	wrdreg $0xFFFFFFFF;
	(pc) =	sbr.abs _section_cstart, $3  }
0x38: {  	[dreg:$0x1] =	wrdreg $0xFFFFFFFF  }
0x39: {  	_ =	task.clear_ibuf [dreg:s7], $0x2FFFF;
	_ =	strace $0x9FFFFFFF  }
0x3a: {  	(tm) =	ssettm $0x7FFFFFFF  }
0x3b: {  	_ =	shalt  }
tec
execute0_lowered:
.L_overlay_start_1:
0x0: {  	(tag) =	ssettag $0x1  }
0x1: {  	s0 =	srdreg.scid  }
0x2: {  	s1 =	sshll.u32 s0, $0x4  }
0x3: {  	s4 =	rddreg [dreg:$0x0];
	s0 =	stileid.u32;
	s1 =	sand.u32 $0x10, s1  }
0x4: {  	s2 =	rddreg [dreg:$0x1];
	s7 =	simm.s32 $0x1;
	s1 =	sor.u32 s0, s1  }
0x5: {  	s8 =	simm.s32 $0x2;
	s11 =	simm.s32 $0x0;
	s3 =	sshll.u32 s1, $0x7  }
0x6: {  	s10 =	simm.s32 $0x0;
	s4 =	sadd.s32 $0x800, s4;
	s6 =	ssub.s32 $0xC8000, s3  }
.Ltmp0:
0x7: {  	s1 =	rddreg [dreg:$0x2];
	s5 =	sand.u32 $0xF80, s6;
	(pc) =	sbr.rel .LBB1_1-.Ltmp0, $4  }
0x8: {  	_ =	strace $0x8000004A;
	s9 =	smov.u32 s3;
	p0 =	sne.s32 s5, $0x0  }
0x9: {  	s6 =	sshrl.u32 s6, $0xC;
	s5 =	simm.s32 $0x1;
	s7 =	simm.s32 @!p0 $0x0  }
0xa: {  	[sflag:s5] =	ssyncpa.u1 $0x0;
	p0 =	por $0x0, $0x0;
	s6 =	sadd.s32 s7, s6  }
0xb: {  	[sflag:s8] =	ssyncpa.u1 $0x0;
	s8 =	simm.s32 $0x640000;
	s7 =	sadd.s32 $0x1, s6  }
.LBB1_4:
0xc: {  	s14 =	sshll.u32 s11, $0x3  }
0xd: {  	s30 =	sand.u32 $0x7F, s11;
	s15 =	sand.u32 $0xFFFFFC00, s14  }
0xe: {  	s11 =	sor.u32 s30, s15  }
0xf: {  	s15 =	smulhi.u32 $0x51EB851F, s11  }
0x10: {  	s14 =	smulhi.u32 $0x51EB851F, s14  }
0x11: {  	s15 =	sshrl.u32 s15, $0x12  }
0x12: {  	s14 =	sshrl.u32 s14, $0x12;
	s15 =	smul.u32 $0xC8000, s15  }
0x13: {  	s14 =	sand.u32 $0x3F, s14  }
0x14: {  	s14 =	smul.u32 $0x19000, s14;
	s11 =	ssub.s32 s11, s15  }
0x15: {  	[tilespmem:s13+$0x810 ss:$0x81] =	vst.msk $0xffff, v2;
	s15 =	sand.u32 $0x7, s11  }
0x16: {  	[tilespmem:s13+$0x1020 ss:$0x81] =	vst.msk $0xffff, v0;
	s14 =	sadd.s32 s2, s14;
	s11 =	sshrl.u32 s11, $0x3;
	s15 =	sshll.u32 s15, $0x12  }
0x17: {  	[tilespmem:s13+$0x0 ss:$0x81] =	vst.msk $0xffff, v1;
	s11 =	sadd.s32 s11, s14;
	s31 =	sor.u32 $0x400, s15  }
0x18: {  	[hbm4b:s11+s31] =	stream.strided.scatter [tilespmem:s12], [sflag:$0x2], $0x2000, s8, s31, $0x20;
	[tilespmem:$0x8080] =	vst v63  }
.LBB1_5:
0x19: {  	s13 =	sadd.s32 $0x1000, s9  }
0x1a: {  	p2 =	sgt.s32 s13, $0xC7FFF  }
0x1b: {  	s13 =	smov.u32 @p2 s3;
	p2 =	sne.s32 s10, s7  }
.Ltmp1:
0x1c: {  	p1 =	slt.u32 s10, $0x2;
	(pc) =	sbr.rel @!p2 .LBB1_6-.Ltmp1, $4  }
0x1d: {  	s12 =	simm.s32 @!p1 $0x2  }
0x1e: {  	s14 =	sadd.s32 $0x1, s10;
	_ =	swait.ge @!p1 [sflag:s12], $0x2000  }
0x1f: {  	s11 =	smov.u32 s9;
	p0 =	por !p0, !p0;
	[sflag:s12] =	ssyncset.done @!p1 $0x0  }
0x20: {  	s10 =	smov.u32 s14;
	s9 =	smov.u32 s13;
	[sflag:s12] =	ssyncadd.s32 @!p1 $0xFFFFE000  }
.LBB1_1:
0x21: {  	p1 =	sge.u32 s10, s6  }
0x22: {  	s12 =	sand.u32 @!p1 $0x1FFFFFF, s9  }
0x23: {  	s13 =	smulhi.u32 @!p1 $0x147AE15, s12;
	_ =	sdelay $0x1  }
0x24: {  	s13 =	sshrl.u32 @!p1 s13, $0xC  }
0x25: {  	s13 =	smul.u32 @!p1 $0xC8000, s13;
	_ =	sdelay $0x1  }
0x26: {  	s31 =	sadd.s32 $0xFFFFFFFF, s10;
	s14 =	sxor.u32 @!p1 $0xFFFFFFFF, s10;
	s12 =	ssub.s32 @!p1 s12, s13  }
0x27: {  	s15 =	simm.s32 @!p1 $0x80;
	s14 =	sshll.u32 @!p1 s14, $0xD;
	s12 =	sshll.u32 @!p1 s12, $0x4  }
0x28: {  	s13 =	sand.u32 @!p1 $0x2000, s14;
	s14 =	simm.s32 @!p1 $0x40;
	s12 =	sadd.s32 @!p1 s4, s12  }
0x29: {  	[tilespmem:s13], [sflag:$0x1] =	stream.strided.gather @!p1 [hbm4b:s12+s14], $0x2000, s15, s14, $0x38;
	[tilespmem:$0x8080] =	vst v63  }
0x2a: {  	p1 =	sge.u32 s31, s6  }
.Ltmp2:
0x2b: {  	_ = 	snop;
	(pc) =	sbr.rel @p1 .LBB1_5-.Ltmp2, $1  }
0x2c: {  	_ =	sdelay $0x3  }
0x2d: {  	s12 =	simm.s32 $0x1  }
0x2e: {  	_ =	swait.ge [sflag:s5], $0x2000;
	s12 =	simm.s32 @!p0 $0x0  }
0x2f: {  	[sflag:s5] =	ssyncset.done $0x0;
	s13 =	sshll.u32 s12, $0xD  }
0x30: {  	[sflag:s5] =	ssyncadd.s32 $0xFFFFE000;
	s16 =	sor.u32 $0x20, s13  }
0x31: {  	s12 =	smul.u32 $0x8100, s12;
	v3 =	vld [tilespmem:s16+$0x10]  }
0x32: {  	s30 =	sand.u32 $0x1, s10;
	v2 =	vld [tilespmem:s16+$0xFFFFFFF0]  }
0x33: {  	s13 =	smul.u32 $0x8100, s30;
	s12 =	sshrl.u32 s12, $0x2;
	v0 =	vld [tilespmem:s16+$0x0]  }
0x34: {  	v1 =	vld [tilespmem:s16+$0xFFFFFFE0];
	s14 =	sor.u32 $0x4000, s12  }
0x35: {  	s31 =	sshrl.u32 s13, $0x2;
	s13 =	sadd.s32 $0x0, s14  }
0x36: {  	s15 =	simm.s32 $0x4;
	s16 =	sadd.s32 $0x40, s16;
	s12 =	sor.u32 $0x4000, s31;
	[tilespmem:s13+$0x1830 ss:$0x81] =	vst.msk $0xffff, v3  }
.LBB1_3:
0x37: {  	v3 =	vld [tilespmem:s16+$0x10];
	p1 =	sne.s32 s15, $0x1FC;
	[tilespmem:s13+$0x810 ss:$0x81] =	vst.msk $0xffff, v2;
	s17 =	smov.u32 s15;
	s15 =	sadd.s32 $0x4, s15  }
.Ltmp3:
0x38: {  	v2 =	vld [tilespmem:s16+$0xFFFFFFF0];
	[tilespmem:s13+$0x1020 ss:$0x81] =	vst.msk $0xffff, v0;
	(pc) =	sbr.rel @p1 .LBB1_3-.Ltmp3, $4  }
0x39: {  	v0 =	vld [tilespmem:s16+$0x0];
	[tilespmem:s13+$0x0 ss:$0x81] =	vst.msk $0xffff, v1  }
0x3a: {  	s13 =	sshra.s32 s17, $0x2;
	v1 =	vld [tilespmem:s16+$0xFFFFFFE0]  }
0x3b: {  	s13 =	sadd.s32 s13, s14  }
0x3c: {  	s16 =	sadd.s32 $0x40, s16;
	[tilespmem:s13+$0x1830 ss:$0x81] =	vst.msk $0xffff, v3  }
.Ltmp4:
0x3d: {  	_ = 	snop;
	(pc) =	sbr.rel .LBB1_4-.Ltmp4, $1  }
0x3e: {  	_ =	sdelay $0x3  }
.LBB1_6:
0x3f: {  	_ =	sfence.sel $0x180000  }
0x40: {  	s2 =	simm.s32 $0x1;
	[bflag:$0x0] =	sbarrier.arrive $0xFFFF  }
0x41: {  	s31 =	simm.s32 $0x2;
	[sflag:s2] =	ssyncpa.u1 $0x1  }
0x42: {  	[sflag:s31] =	ssyncpa.u1 $0x1  }
0x43: {  	p0 =	sne.s32 s0, $0x0;
	_ =	strace $0x9000004A  }
0x44: {  	s0 =	sadd.s32 @!p0 $0x100000, s1;
	[bflag:$0x2] =	sbarrier.arrive $0xFFFF  }
0x45: {  	[sflag:s0] =	ssyncadd.tile.s32 @!p0 $0x1;
	_ =	shalt  }
.Lfunc_end1:
_tile_overlayer_lowered:
.L_overlay_start_2:
0x46: {  	(tag) =	ssettag $0x2  }
0x47: {  	s0 =	rddreg [dreg:$0x0];
	s2 =	stileid.u32  }
0x48: {  	s1 =	rddreg [dreg:$0x1];
	p0 =	sne.s32 s2, $0x0  }
0x49: {  	s3 =	rddreg [dreg:$0x2];
	[bflag:$0x3] =	sbarrier.arrive $0xFFFF;
	s2 =	simm.s32 @!p0 $0x1C01  }
0x4a: {  	[timem:s3], [sflag:s2] =	dma.local @!p0 [hbm:s0], s1  }
0x4b: {  	s0 =	simm.s32 @!p0 $0x1  }
0x4c: {  	_ =	swait.ge @!p0 [sflag:s0], s1  }
0x4d: {  	s1 =	ssub.s32 @!p0 $0x0, s1;
	[sflag:s0] =	ssyncset.done @!p0 $0x0  }
0x4e: {  	[sflag:s0] =	ssyncadd.s32 @!p0 s1  }
0x4f: {  	[bflag:$0x3] =	sbarrier.arrive $0xFFFF  }
0x50: {  	_ =	shalt  }

</sc_bundles>
